<compile_context>
chip_gen: v7x
topology: tpu7x:2x2x1
jax: 0.10.2.dev20260603
libtpu: 0.0.44.dev20260713+nightly
codegen_flags: <defaults>
</compile_context>

<pallas_src>
import functools

import jax
import jax.numpy as jnp
from jax import lax
from jax.experimental import pallas as pl
from jax.experimental.pallas import tpu as pltpu
from jax.experimental.pallas import tpu_sc as plsc


NDIM = 256
NKNOT = 32
ROWS_PER_BLOCK = 2048
N_ROWS = 131072
M_SC = 65536
SC_WORKERS = 32
SC_BLOCK = 64



def _sc_y_body(x_hbm, c_hbm, y_hbm, cbuf, xbuf, ybuf, insem, outsem):
    wid = lax.axis_index("s") * 2 + lax.axis_index("c")
    rows_w = M_SC // SC_WORKERS
    base = wid * rows_w
    pltpu.sync_copy(c_hbm, cbuf)

    def block(b, carry):
        r0 = base + b * SC_BLOCK
        pltpu.async_copy(x_hbm.at[pl.ds(r0, SC_BLOCK)], xbuf, insem).wait()

        def row(r, carry2):
            for j in range(NDIM // 16):
                sl = pl.ds(j * 16, 16)
                xv = xbuf[r, sl]
                x0c = cbuf[0, sl]
                ivc = cbuf[1, sl]
                dxc = cbuf[2, sl]
                y0c = cbuf[3, sl]
                xnc = cbuf[4, sl]
                ync = cbuf[5, sl]
                t = (xv - x0c) * ivc
                tcl = jnp.minimum(jnp.maximum(t, 0.0), 30.0)
                kf = tcl.astype(jnp.int32).astype(jnp.float32)
                xi = jnp.minimum(jnp.maximum(t - kf, 0.0), 1.0)
                q = xi * xi + xi * (1.0 - xi)
                yl = y0c + kf * dxc
                ym = yl + dxc * q
                ylo = y0c + (xv - x0c)
                yhi = ync + (xv - xnc)
                y = jnp.where(xv <= x0c, ylo, jnp.where(xv > xnc, yhi, ym))
                ybuf[r, sl] = y
            return carry2

        lax.fori_loop(0, SC_BLOCK, row, 0)
        pltpu.async_copy(ybuf, y_hbm.at[pl.ds(r0, SC_BLOCK)], outsem).wait()
        return carry

    lax.fori_loop(0, rows_w // SC_BLOCK, block, 0)


def _sc_y(x, consts):
    n = x.shape[0]
    return pl.kernel(
        _sc_y_body,
        out_type=jax.ShapeDtypeStruct((n, NDIM), jnp.float32),
        mesh=plsc.VectorSubcoreMesh(core_axis_name="c", subcore_axis_name="s"),
        scratch_types=[
            pltpu.VMEM((6, NDIM), jnp.float32),
            pltpu.VMEM((SC_BLOCK, NDIM), jnp.float32),
            pltpu.VMEM((SC_BLOCK, NDIM), jnp.float32),
            pltpu.SemaphoreType.DMA,
            pltpu.SemaphoreType.DMA,
        ],
    )(x, consts)



def _gather32(tab_ref, lidx, m1, m2, m3):
    v = jnp.take_along_axis(tab_ref[0:8], lidx, axis=0)
    v = jnp.where(m1, jnp.take_along_axis(tab_ref[8:16], lidx, axis=0), v)
    v = jnp.where(m2, jnp.take_along_axis(tab_ref[16:24], lidx, axis=0), v)
    v = jnp.where(m3, jnp.take_along_axis(tab_ref[24:32], lidx, axis=0), v)
    return v


def _tc_common(x, xxl_ref, xxh_ref, invdx_ref, ld_ref, sd_ref):
    xx0 = xxl_ref[0, :]
    xx_last = xxh_ref[NKNOT - 2, :]
    invdx = invdx_ref[0, :]

    t = (x - xx0) * invdx
    kk = jnp.clip(t.astype(jnp.int32), 0, NKNOT - 2)

    lidx = jnp.bitwise_and(kk, 7)
    g = jnp.right_shift(kk, 3)
    m1 = g == 1
    m2 = g == 2
    m3 = g == 3
    xl = _gather32(xxl_ref, lidx, m1, m2, m3)
    xh = _gather32(xxh_ref, lidx, m1, m2, m3)

    dl = sd_ref[1, :]
    dh = sd_ref[2, :]
    xi = jnp.clip((x - xl) / (xh - xl), 0.0, 1.0)
    s = (xh - xl) / (xh - xl)
    xi1_xi = xi * (1.0 - xi)
    denom = s + (dh + dl - 2.0 * s) * xi1_xi
    xi2 = xi ** 2
    num = dh * xi2 + 2.0 * s * xi1_xi + dl * (1.0 - xi) ** 2
    logd_mid = (2.0 * jnp.log(s) + jnp.log(num) - 2.0 * jnp.log(denom))

    ld_lo = jnp.broadcast_to(ld_ref[0, :], x.shape)
    ld_hi = jnp.broadcast_to(ld_ref[1, :], x.shape)
    sel0 = x <= xx0
    seln = x > xx_last
    logd = jnp.where(sel0, ld_lo, jnp.where(seln, ld_hi, logd_mid))
    return logd, (xl, xh, xi2, xi1_xi, xx0, xx_last, sel0, seln)


def _tc_logd_block(x_ref, xxl_ref, xxh_ref, invdx_ref, ld_ref, sd_ref,
                   logd_ref):
    logd, _ = _tc_common(x_ref[...], xxl_ref, xxh_ref, invdx_ref, ld_ref,
                         sd_ref)
    logd_ref[...] = logd


def _tc_full_block(x_ref, xxl_ref, xxh_ref, invdx_ref, ld_ref, sd_ref,
                   y_alias_ref, logd_alias_ref, y_ref, logd_ref):
    x = x_ref[...]
    logd, (xl, xh, xi2, xi1_xi, xx0, xx_last, sel0, seln) = _tc_common(
        x, xxl_ref, xxh_ref, invdx_ref, ld_ref, sd_ref)
    y_mid = xl + (xh - xl) * (xi2 + xi1_xi)
    y_lo = xx0 + (x - xx0)
    y_hi = xx_last + (x - xx_last)
    y_ref[...] = jnp.where(sel0, y_lo, jnp.where(seln, y_hi, y_mid))
    logd_ref[...] = logd



@jax.jit
def kernel(x, x0, y0, logdx, logdy, logderiv):
    n, ndim = x.shape
    xx = jnp.concatenate([x0, x0 + jnp.cumsum(jnp.exp(logdx), axis=1)], axis=1)
    yy = jnp.concatenate([y0, y0 + jnp.cumsum(jnp.exp(logdy), axis=1)], axis=1)
    dx = jnp.exp(logdx[:, :1])
    invdx = (1.0 / dx).T
    ld_edges = jnp.stack([logderiv[:, 0], logderiv[:, -1]])
    delta = jnp.exp(logderiv)
    s_row = (xx[:, 1] - xx[:, 0]) / (xx[:, 1] - xx[:, 0])
    sd_rows = jnp.stack([s_row, delta[:, 0], delta[:, 1]])

    xxl = xx.T
    xxh = jnp.concatenate([xxl[1:], xxl[-1:]], axis=0)

    sc_consts = jnp.stack([
        xx[:, 0], invdx[0], dx[:, 0], yy[:, 0], xx[:, -1], yy[:, -1]])

    y_sc = _sc_y(x, sc_consts)

    m_blocks = M_SC // ROWS_PER_BLOCK
    tab_spec = pl.BlockSpec((NKNOT, ndim), lambda i: (0, 0))
    row_spec = pl.BlockSpec((ROWS_PER_BLOCK, ndim), lambda i: (i, 0))
    const_specs = [
        tab_spec, tab_spec,
        pl.BlockSpec((1, ndim), lambda i: (0, 0)),
        pl.BlockSpec((2, ndim), lambda i: (0, 0)),
        pl.BlockSpec((3, ndim), lambda i: (0, 0)),
    ]
    logd_lo = pl.pallas_call(
        _tc_logd_block,
        grid=(m_blocks,),
        in_specs=[row_spec] + const_specs,
        out_specs=pl.BlockSpec((ROWS_PER_BLOCK, ndim), lambda i: (i, 0)),
        out_shape=jax.ShapeDtypeStruct((n, ndim), jnp.float32),
    )(x, xxl, xxh, invdx, ld_edges, sd_rows)

    hi_blocks = (n - M_SC) // ROWS_PER_BLOCK
    row_spec_hi = pl.BlockSpec((ROWS_PER_BLOCK, ndim),
                               lambda i: (i + M_SC // ROWS_PER_BLOCK, 0))
    any_spec = pl.BlockSpec(memory_space=pl.MemorySpace.ANY)
    y, logd = pl.pallas_call(
        _tc_full_block,
        grid=(hi_blocks,),
        in_specs=[row_spec_hi] + const_specs + [any_spec, any_spec],
        out_specs=[row_spec_hi, row_spec_hi],
        out_shape=[
            jax.ShapeDtypeStruct((n, ndim), jnp.float32),
            jax.ShapeDtypeStruct((n, ndim), jnp.float32),
        ],
        input_output_aliases={6: 0, 7: 1},
    )(x, xxl, xxh, invdx, ld_edges, sd_rows, y_sc, logd_lo)
    return (y, logd)

# --- scband reference (transcript-rebuilt; emitter-appended) ---
"""Pipeline reference for scband-rqspline-59940563583739 (READ-ONLY COPY).

The authoritative reference and input builder live on the scoring server;
editing this copy changes nothing except your own understanding.
"""

import jax, jax.numpy as jnp
import numpy as np

NDIM = 256
NKNOT = 32
N = 131072


def setup_inputs(seed: int = 0) -> dict:
    key = jax.random.key(seed)
    k1, k2 = jax.random.split(key)
    x0 = jax.random.uniform(k1, (NDIM, 1), dtype=jnp.float32) - 4.5
    logdx = jnp.log(jnp.abs(-2.0 * x0 / (NKNOT - 1))) * jnp.ones((NDIM, NKNOT - 1), dtype=jnp.float32)
    logdy = logdx
    logderiv = jnp.zeros((NDIM, NKNOT), dtype=jnp.float32)
    x = jax.random.normal(k2, (N, NDIM), dtype=jnp.float32)
    return {"x": x, "x0": x0, "y0": x0, "logdx": logdx, "logdy": logdy, "logderiv": logderiv}


def _gather(arr, idx):
    # arr: [ndim, nknot], idx: [N, ndim] -> [N, ndim] with arr[d, idx[n, d]]
    return jnp.take_along_axis(arr.T, idx, axis=0)


def reference(x, x0, y0, logdx, logdy, logderiv):
    nknot = logderiv.shape[1]
    xx = jnp.concatenate([x0, x0 + jnp.cumsum(jnp.exp(logdx), axis=1)], axis=1)
    yy = jnp.concatenate([y0, y0 + jnp.cumsum(jnp.exp(logdy), axis=1)], axis=1)
    delta = jnp.exp(logderiv)
    # per-dim searchsorted (torch.searchsorted on x.T, then .T)
    index = jax.vmap(jnp.searchsorted)(xx, x.T).T  # [N, ndim], int
    ic = jnp.clip(index, 1, nknot - 1)
    xl = _gather(xx, ic - 1)
    xh = _gather(xx, ic)
    yl = _gather(yy, ic - 1)
    yh = _gather(yy, ic)
    dl = _gather(delta, ic - 1)
    dh = _gather(delta, ic)
    xi = jnp.clip((x - xl) / (xh - xl), 0.0, 1.0)  # clip only affects masked boundary rows
    s = (yh - yl) / (xh - xl)
    xi1_xi = xi * (1.0 - xi)
    denom = s + (dh + dl - 2.0 * s) * xi1_xi
    xi2 = xi ** 2
    y_mid = yl + (yh - yl) * (s * xi2 + dl * xi1_xi) / denom
    logd_mid = 2.0 * jnp.log(s) + jnp.log(dh * xi2 + 2.0 * s * xi1_xi + dl * (1.0 - xi) ** 2) - 2.0 * jnp.log(denom)
    y_lo = yy[:, 0] + (x - xx[:, 0]) * delta[:, 0]
    y_hi = yy[:, -1] + (x - xx[:, -1]) * delta[:, -1]
    ld_lo = jnp.broadcast_to(logderiv[:, 0], x.shape)
    ld_hi = jnp.broadcast_to(logderiv[:, -1], x.shape)
    sel0 = index == 0
    seln = index == nknot
    y = jnp.where(sel0, y_lo, jnp.where(seln, y_hi, y_mid))
    logd = jnp.where(sel0, ld_lo, jnp.where(seln, ld_hi, logd_mid))
    return (y, logd)

if __name__ == "__main__":
    import jax
    _d = setup_inputs()
    print(jax.jit(kernel)(*tuple(_d.values())))

</pallas_src>

<mosaic_0001>
#map = affine_map<(d0, d1) -> (0, 0)>
module attributes {stable_mosaic.version = 14 : i64} {
  func.func @_sc_y_body(%arg0: i32, %arg1: i32, %arg2: memref<131072x256xf32, #tpu.memory_space<hbm>>, %arg3: memref<6x256xf32, #tpu.memory_space<hbm>>, %arg4: memref<131072x256xf32, #tpu.memory_space<hbm>>, %arg5: memref<6x256xf32, #tpu.memory_space<vmem>>, %arg6: memref<64x256xf32, #tpu.memory_space<vmem>>, %arg7: memref<64x256xf32, #tpu.memory_space<vmem>>, %arg8: memref<!tpu.dma_semaphore, #tpu.memory_space<semaphore_mem>>, %arg9: memref<!tpu.dma_semaphore, #tpu.memory_space<semaphore_mem>>) attributes {dimension_semantics = [#tpu.dimension_semantics<core_parallel>, #tpu.dimension_semantics<subcore_parallel>], iteration_bounds = array<i64: 2, 16>, scalar_prefetch = 0 : i64, scratch_operands = 5 : i64, tpu.core_type = #tpu.core_type<sc_vector_subcore>, window_params = [{transform_indices = #map}, {transform_indices = #map}, {transform_indices = #map}]} {
    %mul3A = arith.constant 2 : i32
    %mul3A_0 = arith.muli %arg1, %mul3A : i32
    %add3A = arith.addi %mul3A_0, %arg0 : i32
    %mul3A_1 = arith.constant 2048 : i32
    %mul3A_2 = arith.muli %add3A, %mul3A_1 : i32
    "tpu.region"() ({
      %run_scoped3A = tpu.sem_alloc : memref<!tpu.dma_semaphore, #tpu.memory_space<semaphore_mem>>
      tpu.enqueue_dma source(%arg3 : memref<6x256xf32, #tpu.memory_space<hbm>>) target(%arg5 : memref<6x256xf32, #tpu.memory_space<vmem>>) target_semaphore(%run_scoped3A : memref<!tpu.dma_semaphore, #tpu.memory_space<semaphore_mem>>)
      tpu.wait_dma2 semaphore(%run_scoped3A : memref<!tpu.dma_semaphore, #tpu.memory_space<semaphore_mem>>) src(%arg3 : memref<6x256xf32, #tpu.memory_space<hbm>>) dst(%arg5 : memref<6x256xf32, #tpu.memory_space<vmem>>)
      tpu.yield
    }) : () -> ()
    %scan3A = arith.constant 0 : i32
    %scan3A_3 = arith.constant 0 : i32
    %scan3A_4 = arith.constant 32 : i32
    %scan3A_5 = arith.addi %scan3A_3, %scan3A_4 : i32
    %scan3A_6 = arith.constant 1 : i32
    scf.for %scan3A_8 = %scan3A_3 to %scan3A_5 step %scan3A_6  : i32 {
      %mul3A_9 = arith.constant 64 : i32
      %mul3A_10 = arith.muli %scan3A_8, %mul3A_9 : i32
      %add3A_11 = arith.addi %mul3A_2, %mul3A_10 : i32
      %dma_start3A = arith.constant 0 : i32
      %dma_start3A_12 = tpu.memref_slice %arg2[%add3A_11, %dma_start3A] : memref<131072x256xf32, #tpu.memory_space<hbm>> -> memref<64x256xf32, #tpu.memory_space<hbm>>
      %dma_start3A_13 = arith.constant 0 : i32
      %dma_start3A_14 = tpu.memref_slice %arg2[%add3A_11, %dma_start3A_13] : memref<131072x256xf32, #tpu.memory_space<hbm>> -> memref<64x256xf32, #tpu.memory_space<hbm>>
      tpu.enqueue_dma source(%dma_start3A_14 : memref<64x256xf32, #tpu.memory_space<hbm>>) target(%arg6 : memref<64x256xf32, #tpu.memory_space<vmem>>) target_semaphore(%arg8 : memref<!tpu.dma_semaphore, #tpu.memory_space<semaphore_mem>>)
      %dma_wait3A = arith.constant 0 : i32
      %dma_wait3A_15 = tpu.memref_slice %arg2[%add3A_11, %dma_wait3A] : memref<131072x256xf32, #tpu.memory_space<hbm>> -> memref<64x256xf32, #tpu.memory_space<hbm>>
      %dma_wait3A_16 = arith.constant 0 : i32
      %dma_wait3A_17 = tpu.memref_slice %arg2[%add3A_11, %dma_wait3A_16] : memref<131072x256xf32, #tpu.memory_space<hbm>> -> memref<64x256xf32, #tpu.memory_space<hbm>>
      tpu.wait_dma2 semaphore(%arg8 : memref<!tpu.dma_semaphore, #tpu.memory_space<semaphore_mem>>) src(%dma_wait3A_17 : memref<64x256xf32, #tpu.memory_space<hbm>>) dst(%arg6 : memref<64x256xf32, #tpu.memory_space<vmem>>)
      %scan3A_18 = arith.constant 0 : i32
      %scan3A_19 = arith.constant 0 : i32
      %scan3A_20 = arith.constant 64 : i32
      %scan3A_21 = arith.addi %scan3A_19, %scan3A_20 : i32
      %scan3A_22 = arith.constant 1 : i32
      scf.for %scan3A_32 = %scan3A_19 to %scan3A_21 step %scan3A_22  : i32 {
        %get3A = arith.index_cast %scan3A_32 : i32 to index
        %get3A_33 = arith.constant 0 : index
        %get3A_34 = tpu.vector_load %arg6[%get3A, %get3A_33] {strides = array<i32>} : memref<64x256xf32, #tpu.memory_space<vmem>>, vector<1x16xf32>,
        %get3A_35 = vector.shape_cast %get3A_34 : vector<1x16xf32> to vector<16xf32>
        %get3A_36 = arith.constant 0 : i32
        %get3A_37 = arith.index_cast %get3A_36 : i32 to index
        %get3A_38 = arith.constant 0 : index
        %get3A_39 = tpu.vector_load %arg5[%get3A_37, %get3A_38] {strides = array<i32>} : memref<6x256xf32, #tpu.memory_space<vmem>>, vector<1x16xf32>,
        %get3A_40 = vector.shape_cast %get3A_39 : vector<1x16xf32> to vector<16xf32>
        %get3A_41 = arith.constant 1 : i32
        %get3A_42 = arith.index_cast %get3A_41 : i32 to index
        %get3A_43 = arith.constant 0 : index
        %get3A_44 = tpu.vector_load %arg5[%get3A_42, %get3A_43] {strides = array<i32>} : memref<6x256xf32, #tpu.memory_space<vmem>>, vector<1x16xf32>,
        %get3A_45 = vector.shape_cast %get3A_44 : vector<1x16xf32> to vector<16xf32>
        %get3A_46 = arith.constant 2 : i32
        %get3A_47 = arith.index_cast %get3A_46 : i32 to index
        %get3A_48 = arith.constant 0 : index
        %get3A_49 = tpu.vector_load %arg5[%get3A_47, %get3A_48] {strides = array<i32>} : memref<6x256xf32, #tpu.memory_space<vmem>>, vector<1x16xf32>,
        %get3A_50 = vector.shape_cast %get3A_49 : vector<1x16xf32> to vector<16xf32>
        %get3A_51 = arith.constant 3 : i32
        %get3A_52 = arith.index_cast %get3A_51 : i32 to index
        %get3A_53 = arith.constant 0 : index
        %get3A_54 = tpu.vector_load %arg5[%get3A_52, %get3A_53] {strides = array<i32>} : memref<6x256xf32, #tpu.memory_space<vmem>>, vector<1x16xf32>,
        %get3A_55 = vector.shape_cast %get3A_54 : vector<1x16xf32> to vector<16xf32>
        %get3A_56 = arith.constant 4 : i32
        %get3A_57 = arith.index_cast %get3A_56 : i32 to index
        %get3A_58 = arith.constant 0 : index
        %get3A_59 = tpu.vector_load %arg5[%get3A_57, %get3A_58] {strides = array<i32>} : memref<6x256xf32, #tpu.memory_space<vmem>>, vector<1x16xf32>,
        %get3A_60 = vector.shape_cast %get3A_59 : vector<1x16xf32> to vector<16xf32>
        %get3A_61 = arith.constant 5 : i32
        %get3A_62 = arith.index_cast %get3A_61 : i32 to index
        %get3A_63 = arith.constant 0 : index
        %get3A_64 = tpu.vector_load %arg5[%get3A_62, %get3A_63] {strides = array<i32>} : memref<6x256xf32, #tpu.memory_space<vmem>>, vector<1x16xf32>,
        %get3A_65 = vector.shape_cast %get3A_64 : vector<1x16xf32> to vector<16xf32>
        %sub3A = arith.subf %get3A_35, %get3A_40 : vector<16xf32>
        %mul3A_66 = arith.mulf %sub3A, %get3A_45 : vector<16xf32>
        %max3A = arith.constant 0.000000e+00 : f32
        %max3A_67 = vector.broadcast %max3A : f32 to vector<16xf32>
        %max3A_68 = arith.maximumf %mul3A_66, %max3A_67 : vector<16xf32>
        %min3A = arith.constant 3.000000e+01 : f32
        %min3A_69 = vector.broadcast %min3A : f32 to vector<16xf32>
        %min3A_70 = arith.minimumf %max3A_68, %min3A_69 : vector<16xf32>
        %convert_element_type3A = arith.fptosi %min3A_70 : vector<16xf32> to vector<16xi32>
        %convert_element_type3A_71 = arith.sitofp %convert_element_type3A : vector<16xi32> to vector<16xf32>
        %sub3A_72 = arith.subf %mul3A_66, %convert_element_type3A_71 : vector<16xf32>
        %max3A_73 = arith.constant 0.000000e+00 : f32
        %max3A_74 = vector.broadcast %max3A_73 : f32 to vector<16xf32>
        %max3A_75 = arith.maximumf %sub3A_72, %max3A_74 : vector<16xf32>
        %min3A_76 = arith.constant 1.000000e+00 : f32
        %min3A_77 = vector.broadcast %min3A_76 : f32 to vector<16xf32>
        %min3A_78 = arith.minimumf %max3A_75, %min3A_77 : vector<16xf32>
        %mul3A_79 = arith.mulf %min3A_78, %min3A_78 : vector<16xf32>
        %sub3A_80 = arith.constant 1.000000e+00 : f32
        %sub3A_81 = vector.broadcast %sub3A_80 : f32 to vector<16xf32>
        %sub3A_82 = arith.subf %sub3A_81, %min3A_78 : vector<16xf32>
        %mul3A_83 = arith.mulf %min3A_78, %sub3A_82 : vector<16xf32>
        %add3A_84 = arith.addf %mul3A_79, %mul3A_83 : vector<16xf32>
        %mul3A_85 = arith.mulf %convert_element_type3A_71, %get3A_50 : vector<16xf32>
        %add3A_86 = arith.addf %get3A_55, %mul3A_85 : vector<16xf32>
        %mul3A_87 = arith.mulf %get3A_50, %add3A_84 : vector<16xf32>
        %add3A_88 = arith.addf %add3A_86, %mul3A_87 : vector<16xf32>
        %sub3A_89 = arith.subf %get3A_35, %get3A_40 : vector<16xf32>
        %add3A_90 = arith.addf %get3A_55, %sub3A_89 : vector<16xf32>
        %sub3A_91 = arith.subf %get3A_35, %get3A_60 : vector<16xf32>
        %add3A_92 = arith.addf %get3A_65, %sub3A_91 : vector<16xf32>
        %le3A = arith.cmpf ole, %get3A_35, %get3A_40 : vector<16xf32>
        %gt3A = arith.cmpf ogt, %get3A_35, %get3A_60 : vector<16xf32>
        %select_n3A = arith.select %gt3A, %add3A_92, %add3A_88 : vector<16xi1>, vector<16xf32>
        %select_n3A_93 = arith.select %le3A, %add3A_90, %select_n3A : vector<16xi1>, vector<16xf32>
        %swap3A = arith.index_cast %scan3A_32 : i32 to index
        %swap3A_94 = arith.constant 0 : index
        %swap3A_95 = tpu.vector_load %arg7[%swap3A, %swap3A_94] {strides = array<i32>} : memref<64x256xf32, #tpu.memory_space<vmem>>, vector<1x16xf32>,
        %swap3A_96 = vector.shape_cast %swap3A_95 : vector<1x16xf32> to vector<16xf32>
        %swap3A_97 = vector.shape_cast %select_n3A_93 : vector<16xf32> to vector<1x16xf32>
        tpu.vector_store %arg7[%swap3A, %swap3A_94], %swap3A_97 {strides = array<i32>} : memref<64x256xf32, #tpu.memory_space<vmem>>, vector<1x16xf32>,
        %get3A_98 = arith.index_cast %scan3A_32 : i32 to index
        %get3A_99 = arith.constant 16 : index
        %get3A_100 = tpu.vector_load %arg6[%get3A_98, %get3A_99] {strides = array<i32>} : memref<64x256xf32, #tpu.memory_space<vmem>>, vector<1x16xf32>,
        %get3A_101 = vector.shape_cast %get3A_100 : vector<1x16xf32> to vector<16xf32>
        %get3A_102 = arith.constant 0 : i32
        %get3A_103 = arith.index_cast %get3A_102 : i32 to index
        %get3A_104 = arith.constant 16 : index
        %get3A_105 = tpu.vector_load %arg5[%get3A_103, %get3A_104] {strides = array<i32>} : memref<6x256xf32, #tpu.memory_space<vmem>>, vector<1x16xf32>,
        %get3A_106 = vector.shape_cast %get3A_105 : vector<1x16xf32> to vector<16xf32>
        %get3A_107 = arith.constant 1 : i32
        %get3A_108 = arith.index_cast %get3A_107 : i32 to index
        %get3A_109 = arith.constant 16 : index
        %get3A_110 = tpu.vector_load %arg5[%get3A_108, %get3A_109] {strides = array<i32>} : memref<6x256xf32, #tpu.memory_space<vmem>>, vector<1x16xf32>,
        %get3A_111 = vector.shape_cast %get3A_110 : vector<1x16xf32> to vector<16xf32>
        %get3A_112 = arith.constant 2 : i32
        %get3A_113 = arith.index_cast %get3A_112 : i32 to index
        %get3A_114 = arith.constant 16 : index
        %get3A_115 = tpu.vector_load %arg5[%get3A_113, %get3A_114] {strides = array<i32>} : memref<6x256xf32, #tpu.memory_space<vmem>>, vector<1x16xf32>,
        %get3A_116 = vector.shape_cast %get3A_115 : vector<1x16xf32> to vector<16xf32>
        %get3A_117 = arith.constant 3 : i32
        %get3A_118 = arith.index_cast %get3A_117 : i32 to index
        %get3A_119 = arith.constant 16 : index
        %get3A_120 = tpu.vector_load %arg5[%get3A_118, %get3A_119] {strides = array<i32>} : memref<6x256xf32, #tpu.memory_space<vmem>>, vector<1x16xf32>,
        %get3A_121 = vector.shape_cast %get3A_120 : vector<1x16xf32> to vector<16xf32>
        %get3A_122 = arith.constant 4 : i32
        %get3A_123 = arith.index_cast %get3A_122 : i32 to index
        %get3A_124 = arith.constant 16 : index
        %get3A_125 = tpu.vector_load %arg5[%get3A_123, %get3A_124] {strides = array<i32>} : memref<6x256xf32, #tpu.memory_space<vmem>>, vector<1x16xf32>,
        %get3A_126 = vector.shape_cast %get3A_125 : vector<1x16xf32> to vector<16xf32>
        %get3A_127 = arith.constant 5 : i32
        %get3A_128 = arith.index_cast %get3A_127 : i32 to index
        %get3A_129 = arith.constant 16 : index
        %get3A_130 = tpu.vector_load %arg5[%get3A_128, %get3A_129] {strides = array<i32>} : memref<6x256xf32, #tpu.memory_space<vmem>>, vector<1x16xf32>,
        %get3A_131 = vector.shape_cast %get3A_130 : vector<1x16xf32> to vector<16xf32>
        %sub3A_132 = arith.subf %get3A_101, %get3A_106 : vector<16xf32>
        %mul3A_133 = arith.mulf %sub3A_132, %get3A_111 : vector<16xf32>
        %max3A_134 = arith.constant 0.000000e+00 : f32
        %max3A_135 = vector.broadcast %max3A_134 : f32 to vector<16xf32>
        %max3A_136 = arith.maximumf %mul3A_133, %max3A_135 : vector<16xf32>
        %min3A_137 = arith.constant 3.000000e+01 : f32
        %min3A_138 = vector.broadcast %min3A_137 : f32 to vector<16xf32>
        %min3A_139 = arith.minimumf %max3A_136, %min3A_138 : vector<16xf32>
        %convert_element_type3A_140 = arith.fptosi %min3A_139 : vector<16xf32> to vector<16xi32>
        %convert_element_type3A_141 = arith.sitofp %convert_element_type3A_140 : vector<16xi32> to vector<16xf32>
        %sub3A_142 = arith.subf %mul3A_133, %convert_element_type3A_141 : vector<16xf32>
        %max3A_143 = arith.constant 0.000000e+00 : f32
        %max3A_144 = vector.broadcast %max3A_143 : f32 to vector<16xf32>
        %max3A_145 = arith.maximumf %sub3A_142, %max3A_144 : vector<16xf32>
        %min3A_146 = arith.constant 1.000000e+00 : f32
        %min3A_147 = vector.broadcast %min3A_146 : f32 to vector<16xf32>
        %min3A_148 = arith.minimumf %max3A_145, %min3A_147 : vector<16xf32>
        %mul3A_149 = arith.mulf %min3A_148, %min3A_148 : vector<16xf32>
        %sub3A_150 = arith.constant 1.000000e+00 : f32
        %sub3A_151 = vector.broadcast %sub3A_150 : f32 to vector<16xf32>
        %sub3A_152 = arith.subf %sub3A_151, %min3A_148 : vector<16xf32>
        %mul3A_153 = arith.mulf %min3A_148, %sub3A_152 : vector<16xf32>
        %add3A_154 = arith.addf %mul3A_149, %mul3A_153 : vector<16xf32>
        %mul3A_155 = arith.mulf %convert_element_type3A_141, %get3A_116 : vector<16xf32>
        %add3A_156 = arith.addf %get3A_121, %mul3A_155 : vector<16xf32>
        %mul3A_157 = arith.mulf %get3A_116, %add3A_154 : vector<16xf32>
        %add3A_158 = arith.addf %add3A_156, %mul3A_157 : vector<16xf32>
        %sub3A_159 = arith.subf %get3A_101, %get3A_106 : vector<16xf32>
        %add3A_160 = arith.addf %get3A_121, %sub3A_159 : vector<16xf32>
        %sub3A_161 = arith.subf %get3A_101, %get3A_126 : vector<16xf32>
        %add3A_162 = arith.addf %get3A_131, %sub3A_161 : vector<16xf32>
        %le3A_163 = arith.cmpf ole, %get3A_101, %get3A_106 : vector<16xf32>
        %gt3A_164 = arith.cmpf ogt, %get3A_101, %get3A_126 : vector<16xf32>
        %select_n3A_165 = arith.select %gt3A_164, %add3A_162, %add3A_158 : vector<16xi1>, vector<16xf32>
        %select_n3A_166 = arith.select %le3A_163, %add3A_160, %select_n3A_165 : vector<16xi1>, vector<16xf32>
        %swap3A_167 = arith.index_cast %scan3A_32 : i32 to index
        %swap3A_168 = arith.constant 16 : index
        %swap3A_169 = tpu.vector_load %arg7[%swap3A_167, %swap3A_168] {strides = array<i32>} : memref<64x256xf32, #tpu.memory_space<vmem>>, vector<1x16xf32>,
        %swap3A_170 = vector.shape_cast %swap3A_169 : vector<1x16xf32> to vector<16xf32>
        %swap3A_171 = vector.shape_cast %select_n3A_166 : vector<16xf32> to vector<1x16xf32>
        tpu.vector_store %arg7[%swap3A_167, %swap3A_168], %swap3A_171 {strides = array<i32>} : memref<64x256xf32, #tpu.memory_space<vmem>>, vector<1x16xf32>,
        %get3A_172 = arith.index_cast %scan3A_32 : i32 to index
        %get3A_173 = arith.constant 32 : index
        %get3A_174 = tpu.vector_load %arg6[%get3A_172, %get3A_173] {strides = array<i32>} : memref<64x256xf32, #tpu.memory_space<vmem>>, vector<1x16xf32>,
        %get3A_175 = vector.shape_cast %get3A_174 : vector<1x16xf32> to vector<16xf32>
        %get3A_176 = arith.constant 0 : i32
        %get3A_177 = arith.index_cast %get3A_176 : i32 to index
        %get3A_178 = arith.constant 32 : index
        %get3A_179 = tpu.vector_load %arg5[%get3A_177, %get3A_178] {strides = array<i32>} : memref<6x256xf32, #tpu.memory_space<vmem>>, vector<1x16xf32>,
        %get3A_180 = vector.shape_cast %get3A_179 : vector<1x16xf32> to vector<16xf32>
        %get3A_181 = arith.constant 1 : i32
        %get3A_182 = arith.index_cast %get3A_181 : i32 to index
        %get3A_183 = arith.constant 32 : index
        %get3A_184 = tpu.vector_load %arg5[%get3A_182, %get3A_183] {strides = array<i32>} : memref<6x256xf32, #tpu.memory_space<vmem>>, vector<1x16xf32>,
        %get3A_185 = vector.shape_cast %get3A_184 : vector<1x16xf32> to vector<16xf32>
        %get3A_186 = arith.constant 2 : i32
        %get3A_187 = arith.index_cast %get3A_186 : i32 to index
        %get3A_188 = arith.constant 32 : index
        %get3A_189 = tpu.vector_load %arg5[%get3A_187, %get3A_188] {strides = array<i32>} : memref<6x256xf32, #tpu.memory_space<vmem>>, vector<1x16xf32>,
        %get3A_190 = vector.shape_cast %get3A_189 : vector<1x16xf32> to vector<16xf32>
        %get3A_191 = arith.constant 3 : i32
        %get3A_192 = arith.index_cast %get3A_191 : i32 to index
        %get3A_193 = arith.constant 32 : index
        %get3A_194 = tpu.vector_load %arg5[%get3A_192, %get3A_193] {strides = array<i32>} : memref<6x256xf32, #tpu.memory_space<vmem>>, vector<1x16xf32>,
        %get3A_195 = vector.shape_cast %get3A_194 : vector<1x16xf32> to vector<16xf32>
        %get3A_196 = arith.constant 4 : i32
        %get3A_197 = arith.index_cast %get3A_196 : i32 to index
        %get3A_198 = arith.constant 32 : index
        %get3A_199 = tpu.vector_load %arg5[%get3A_197, %get3A_198] {strides = array<i32>} : memref<6x256xf32, #tpu.memory_space<vmem>>, vector<1x16xf32>,
        %get3A_200 = vector.shape_cast %get3A_199 : vector<1x16xf32> to vector<16xf32>
        %get3A_201 = arith.constant 5 : i32
        %get3A_202 = arith.index_cast %get3A_201 : i32 to index
        %get3A_203 = arith.constant 32 : index
        %get3A_204 = tpu.vector_load %arg5[%get3A_202, %get3A_203] {strides = array<i32>} : memref<6x256xf32, #tpu.memory_space<vmem>>, vector<1x16xf32>,
        %get3A_205 = vector.shape_cast %get3A_204 : vector<1x16xf32> to vector<16xf32>
        %sub3A_206 = arith.subf %get3A_175, %get3A_180 : vector<16xf32>
        %mul3A_207 = arith.mulf %sub3A_206, %get3A_185 : vector<16xf32>
        %max3A_208 = arith.constant 0.000000e+00 : f32
        %max3A_209 = vector.broadcast %max3A_208 : f32 to vector<16xf32>
        %max3A_210 = arith.maximumf %mul3A_207, %max3A_209 : vector<16xf32>
        %min3A_211 = arith.constant 3.000000e+01 : f32
        %min3A_212 = vector.broadcast %min3A_211 : f32 to vector<16xf32>
        %min3A_213 = arith.minimumf %max3A_210, %min3A_212 : vector<16xf32>
        %convert_element_type3A_214 = arith.fptosi %min3A_213 : vector<16xf32> to vector<16xi32>
        %convert_element_type3A_215 = arith.sitofp %convert_element_type3A_214 : vector<16xi32> to vector<16xf32>
        %sub3A_216 = arith.subf %mul3A_207, %convert_element_type3A_215 : vector<16xf32>
        %max3A_217 = arith.constant 0.000000e+00 : f32
        %max3A_218 = vector.broadcast %max3A_217 : f32 to vector<16xf32>
        %max3A_219 = arith.maximumf %sub3A_216, %max3A_218 : vector<16xf32>
        %min3A_220 = arith.constant 1.000000e+00 : f32
        %min3A_221 = vector.broadcast %min3A_220 : f32 to vector<16xf32>
        %min3A_222 = arith.minimumf %max3A_219, %min3A_221 : vector<16xf32>
        %mul3A_223 = arith.mulf %min3A_222, %min3A_222 : vector<16xf32>
        %sub3A_224 = arith.constant 1.000000e+00 : f32
        %sub3A_225 = vector.broadcast %sub3A_224 : f32 to vector<16xf32>
        %sub3A_226 = arith.subf %sub3A_225, %min3A_222 : vector<16xf32>
        %mul3A_227 = arith.mulf %min3A_222, %sub3A_226 : vector<16xf32>
        %add3A_228 = arith.addf %mul3A_223, %mul3A_227 : vector<16xf32>
        %mul3A_229 = arith.mulf %convert_element_type3A_215, %get3A_190 : vector<16xf32>
        %add3A_230 = arith.addf %get3A_195, %mul3A_229 : vector<16xf32>
        %mul3A_231 = arith.mulf %get3A_190, %add3A_228 : vector<16xf32>
        %add3A_232 = arith.addf %add3A_230, %mul3A_231 : vector<16xf32>
        %sub3A_233 = arith.subf %get3A_175, %get3A_180 : vector<16xf32>
        %add3A_234 = arith.addf %get3A_195, %sub3A_233 : vector<16xf32>
        %sub3A_235 = arith.subf %get3A_175, %get3A_200 : vector<16xf32>
        %add3A_236 = arith.addf %get3A_205, %sub3A_235 : vector<16xf32>
        %le3A_237 = arith.cmpf ole, %get3A_175, %get3A_180 : vector<16xf32>
        %gt3A_238 = arith.cmpf ogt, %get3A_175, %get3A_200 : vector<16xf32>
        %select_n3A_239 = arith.select %gt3A_238, %add3A_236, %add3A_232 : vector<16xi1>, vector<16xf32>
        %select_n3A_240 = arith.select %le3A_237, %add3A_234, %select_n3A_239 : vector<16xi1>, vector<16xf32>
        %swap3A_241 = arith.index_cast %scan3A_32 : i32 to index
        %swap3A_242 = arith.constant 32 : index
        %swap3A_243 = tpu.vector_load %arg7[%swap3A_241, %swap3A_242] {strides = array<i32>} : memref<64x256xf32, #tpu.memory_space<vmem>>, vector<1x16xf32>,
        %swap3A_244 = vector.shape_cast %swap3A_243 : vector<1x16xf32> to vector<16xf32>
        %swap3A_245 = vector.shape_cast %select_n3A_240 : vector<16xf32> to vector<1x16xf32>
        tpu.vector_store %arg7[%swap3A_241, %swap3A_242], %swap3A_245 {strides = array<i32>} : memref<64x256xf32, #tpu.memory_space<vmem>>, vector<1x16xf32>,
        %get3A_246 = arith.index_cast %scan3A_32 : i32 to index
        %get3A_247 = arith.constant 48 : index
        %get3A_248 = tpu.vector_load %arg6[%get3A_246, %get3A_247] {strides = array<i32>} : memref<64x256xf32, #tpu.memory_space<vmem>>, vector<1x16xf32>,
        %get3A_249 = vector.shape_cast %get3A_248 : vector<1x16xf32> to vector<16xf32>
        %get3A_250 = arith.constant 0 : i32
        %get3A_251 = arith.index_cast %get3A_250 : i32 to index
        %get3A_252 = arith.constant 48 : index
        %get3A_253 = tpu.vector_load %arg5[%get3A_251, %get3A_252] {strides = array<i32>} : memref<6x256xf32, #tpu.memory_space<vmem>>, vector<1x16xf32>,
        %get3A_254 = vector.shape_cast %get3A_253 : vector<1x16xf32> to vector<16xf32>
        %get3A_255 = arith.constant 1 : i32
        %get3A_256 = arith.index_cast %get3A_255 : i32 to index
        %get3A_257 = arith.constant 48 : index
        %get3A_258 = tpu.vector_load %arg5[%get3A_256, %get3A_257] {strides = array<i32>} : memref<6x256xf32, #tpu.memory_space<vmem>>, vector<1x16xf32>,
        %get3A_259 = vector.shape_cast %get3A_258 : vector<1x16xf32> to vector<16xf32>
        %get3A_260 = arith.constant 2 : i32
        %get3A_261 = arith.index_cast %get3A_260 : i32 to index
        %get3A_262 = arith.constant 48 : index
        %get3A_263 = tpu.vector_load %arg5[%get3A_261, %get3A_262] {strides = array<i32>} : memref<6x256xf32, #tpu.memory_space<vmem>>, vector<1x16xf32>,
        %get3A_264 = vector.shape_cast %get3A_263 : vector<1x16xf32> to vector<16xf32>
        %get3A_265 = arith.constant 3 : i32
        %get3A_266 = arith.index_cast %get3A_265 : i32 to index
        %get3A_267 = arith.constant 48 : index
        %get3A_268 = tpu.vector_load %arg5[%get3A_266, %get3A_267] {strides = array<i32>} : memref<6x256xf32, #tpu.memory_space<vmem>>, vector<1x16xf32>,
        %get3A_269 = vector.shape_cast %get3A_268 : vector<1x16xf32> to vector<16xf32>
        %get3A_270 = arith.constant 4 : i32
        %get3A_271 = arith.index_cast %get3A_270 : i32 to index
        %get3A_272 = arith.constant 48 : index
        %get3A_273 = tpu.vector_load %arg5[%get3A_271, %get3A_272] {strides = array<i32>} : memref<6x256xf32, #tpu.memory_space<vmem>>, vector<1x16xf32>,
        %get3A_274 = vector.shape_cast %get3A_273 : vector<1x16xf32> to vector<16xf32>
        %get3A_275 = arith.constant 5 : i32
        %get3A_276 = arith.index_cast %get3A_275 : i32 to index
        %get3A_277 = arith.constant 48 : index
        %get3A_278 = tpu.vector_load %arg5[%get3A_276, %get3A_277] {strides = array<i32>} : memref<6x256xf32, #tpu.memory_space<vmem>>, vector<1x16xf32>,
        %get3A_279 = vector.shape_cast %get3A_278 : vector<1x16xf32> to vector<16xf32>
        %sub3A_280 = arith.subf %get3A_249, %get3A_254 : vector<16xf32>
        %mul3A_281 = arith.mulf %sub3A_280, %get3A_259 : vector<16xf32>
        %max3A_282 = arith.constant 0.000000e+00 : f32
        %max3A_283 = vector.broadcast %max3A_282 : f32 to vector<16xf32>
        %max3A_284 = arith.maximumf %mul3A_281, %max3A_283 : vector<16xf32>
        %min3A_285 = arith.constant 3.000000e+01 : f32
        %min3A_286 = vector.broadcast %min3A_285 : f32 to vector<16xf32>
        %min3A_287 = arith.minimumf %max3A_284, %min3A_286 : vector<16xf32>
        %convert_element_type3A_288 = arith.fptosi %min3A_287 : vector<16xf32> to vector<16xi32>
        %convert_element_type3A_289 = arith.sitofp %convert_element_type3A_288 : vector<16xi32> to vector<16xf32>
        %sub3A_290 = arith.subf %mul3A_281, %convert_element_type3A_289 : vector<16xf32>
        %max3A_291 = arith.constant 0.000000e+00 : f32
        %max3A_292 = vector.broadcast %max3A_291 : f32 to vector<16xf32>
        %max3A_293 = arith.maximumf %sub3A_290, %max3A_292 : vector<16xf32>
        %min3A_294 = arith.constant 1.000000e+00 : f32
        %min3A_295 = vector.broadcast %min3A_294 : f32 to vector<16xf32>
        %min3A_296 = arith.minimumf %max3A_293, %min3A_295 : vector<16xf32>
        %mul3A_297 = arith.mulf %min3A_296, %min3A_296 : vector<16xf32>
        %sub3A_298 = arith.constant 1.000000e+00 : f32
        %sub3A_299 = vector.broadcast %sub3A_298 : f32 to vector<16xf32>
        %sub3A_300 = arith.subf %sub3A_299, %min3A_296 : vector<16xf32>
        %mul3A_301 = arith.mulf %min3A_296, %sub3A_300 : vector<16xf32>
        %add3A_302 = arith.addf %mul3A_297, %mul3A_301 : vector<16xf32>
        %mul3A_303 = arith.mulf %convert_element_type3A_289, %get3A_264 : vector<16xf32>
        %add3A_304 = arith.addf %get3A_269, %mul3A_303 : vector<16xf32>
        %mul3A_305 = arith.mulf %get3A_264, %add3A_302 : vector<16xf32>
        %add3A_306 = arith.addf %add3A_304, %mul3A_305 : vector<16xf32>
        %sub3A_307 = arith.subf %get3A_249, %get3A_254 : vector<16xf32>
        %add3A_308 = arith.addf %get3A_269, %sub3A_307 : vector<16xf32>
        %sub3A_309 = arith.subf %get3A_249, %get3A_274 : vector<16xf32>
        %add3A_310 = arith.addf %get3A_279, %sub3A_309 : vector<16xf32>
        %le3A_311 = arith.cmpf ole, %get3A_249, %get3A_254 : vector<16xf32>
        %gt3A_312 = arith.cmpf ogt, %get3A_249, %get3A_274 : vector<16xf32>
        %select_n3A_313 = arith.select %gt3A_312, %add3A_310, %add3A_306 : vector<16xi1>, vector<16xf32>
        %select_n3A_314 = arith.select %le3A_311, %add3A_308, %select_n3A_313 : vector<16xi1>, vector<16xf32>
        %swap3A_315 = arith.index_cast %scan3A_32 : i32 to index
        %swap3A_316 = arith.constant 48 : index
        %swap3A_317 = tpu.vector_load %arg7[%swap3A_315, %swap3A_316] {strides = array<i32>} : memref<64x256xf32, #tpu.memory_space<vmem>>, vector<1x16xf32>,
        %swap3A_318 = vector.shape_cast %swap3A_317 : vector<1x16xf32> to vector<16xf32>
        %swap3A_319 = vector.shape_cast %select_n3A_314 : vector<16xf32> to vector<1x16xf32>
        tpu.vector_store %arg7[%swap3A_315, %swap3A_316], %swap3A_319 {strides = array<i32>} : memref<64x256xf32, #tpu.memory_space<vmem>>, vector<1x16xf32>,
        %get3A_320 = arith.index_cast %scan3A_32 : i32 to index
        %get3A_321 = arith.constant 64 : index
        %get3A_322 = tpu.vector_load %arg6[%get3A_320, %get3A_321] {strides = array<i32>} : memref<64x256xf32, #tpu.memory_space<vmem>>, vector<1x16xf32>,
        %get3A_323 = vector.shape_cast %get3A_322 : vector<1x16xf32> to vector<16xf32>
        %get3A_324 = arith.constant 0 : i32
        %get3A_325 = arith.index_cast %get3A_324 : i32 to index
        %get3A_326 = arith.constant 64 : index
        %get3A_327 = tpu.vector_load %arg5[%get3A_325, %get3A_326] {strides = array<i32>} : memref<6x256xf32, #tpu.memory_space<vmem>>, vector<1x16xf32>,
        %get3A_328 = vector.shape_cast %get3A_327 : vector<1x16xf32> to vector<16xf32>
        %get3A_329 = arith.constant 1 : i32
        %get3A_330 = arith.index_cast %get3A_329 : i32 to index
        %get3A_331 = arith.constant 64 : index
        %get3A_332 = tpu.vector_load %arg5[%get3A_330, %get3A_331] {strides = array<i32>} : memref<6x256xf32, #tpu.memory_space<vmem>>, vector<1x16xf32>,
        %get3A_333 = vector.shape_cast %get3A_332 : vector<1x16xf32> to vector<16xf32>
        %get3A_334 = arith.constant 2 : i32
        %get3A_335 = arith.index_cast %get3A_334 : i32 to index
        %get3A_336 = arith.constant 64 : index
        %get3A_337 = tpu.vector_load %arg5[%get3A_335, %get3A_336] {strides = array<i32>} : memref<6x256xf32, #tpu.memory_space<vmem>>, vector<1x16xf32>,
        %get3A_338 = vector.shape_cast %get3A_337 : vector<1x16xf32> to vector<16xf32>
        %get3A_339 = arith.constant 3 : i32
        %get3A_340 = arith.index_cast %get3A_339 : i32 to index
        %get3A_341 = arith.constant 64 : index
        %get3A_342 = tpu.vector_load %arg5[%get3A_340, %get3A_341] {strides = array<i32>} : memref<6x256xf32, #tpu.memory_space<vmem>>, vector<1x16xf32>,
        %get3A_343 = vector.shape_cast %get3A_342 : vector<1x16xf32> to vector<16xf32>
        %get3A_344 = arith.constant 4 : i32
        %get3A_345 = arith.index_cast %get3A_344 : i32 to index
        %get3A_346 = arith.constant 64 : index
        %get3A_347 = tpu.vector_load %arg5[%get3A_345, %get3A_346] {strides = array<i32>} : memref<6x256xf32, #tpu.memory_space<vmem>>, vector<1x16xf32>,
        %get3A_348 = vector.shape_cast %get3A_347 : vector<1x16xf32> to vector<16xf32>
        %get3A_349 = arith.constant 5 : i32
        %get3A_350 = arith.index_cast %get3A_349 : i32 to index
        %get3A_351 = arith.constant 64 : index
        %get3A_352 = tpu.vector_load %arg5[%get3A_350, %get3A_351] {strides = array<i32>} : memref<6x256xf32, #tpu.memory_space<vmem>>, vector<1x16xf32>,
        %get3A_353 = vector.shape_cast %get3A_352 : vector<1x16xf32> to vector<16xf32>
        %sub3A_354 = arith.subf %get3A_323, %get3A_328 : vector<16xf32>
        %mul3A_355 = arith.mulf %sub3A_354, %get3A_333 : vector<16xf32>
        %max3A_356 = arith.constant 0.000000e+00 : f32
        %max3A_357 = vector.broadcast %max3A_356 : f32 to vector<16xf32>
        %max3A_358 = arith.maximumf %mul3A_355, %max3A_357 : vector<16xf32>
        %min3A_359 = arith.constant 3.000000e+01 : f32
        %min3A_360 = vector.broadcast %min3A_359 : f32 to vector<16xf32>
        %min3A_361 = arith.minimumf %max3A_358, %min3A_360 : vector<16xf32>
        %convert_element_type3A_362 = arith.fptosi %min3A_361 : vector<16xf32> to vector<16xi32>
        %convert_element_type3A_363 = arith.sitofp %convert_element_type3A_362 : vector<16xi32> to vector<16xf32>
        %sub3A_364 = arith.subf %mul3A_355, %convert_element_type3A_363 : vector<16xf32>
        %max3A_365 = arith.constant 0.000000e+00 : f32
        %max3A_366 = vector.broadcast %max3A_365 : f32 to vector<16xf32>
        %max3A_367 = arith.maximumf %sub3A_364, %max3A_366 : vector<16xf32>
        %min3A_368 = arith.constant 1.000000e+00 : f32
        %min3A_369 = vector.broadcast %min3A_368 : f32 to vector<16xf32>
        %min3A_370 = arith.minimumf %max3A_367, %min3A_369 : vector<16xf32>
        %mul3A_371 = arith.mulf %min3A_370, %min3A_370 : vector<16xf32>
        %sub3A_372 = arith.constant 1.000000e+00 : f32
        %sub3A_373 = vector.broadcast %sub3A_372 : f32 to vector<16xf32>
        %sub3A_374 = arith.subf %sub3A_373, %min3A_370 : vector<16xf32>
        %mul3A_375 = arith.mulf %min3A_370, %sub3A_374 : vector<16xf32>
        %add3A_376 = arith.addf %mul3A_371, %mul3A_375 : vector<16xf32>
        %mul3A_377 = arith.mulf %convert_element_type3A_363, %get3A_338 : vector<16xf32>
        %add3A_378 = arith.addf %get3A_343, %mul3A_377 : vector<16xf32>
        %mul3A_379 = arith.mulf %get3A_338, %add3A_376 : vector<16xf32>
        %add3A_380 = arith.addf %add3A_378, %mul3A_379 : vector<16xf32>
        %sub3A_381 = arith.subf %get3A_323, %get3A_328 : vector<16xf32>
        %add3A_382 = arith.addf %get3A_343, %sub3A_381 : vector<16xf32>
        %sub3A_383 = arith.subf %get3A_323, %get3A_348 : vector<16xf32>
        %add3A_384 = arith.addf %get3A_353, %sub3A_383 : vector<16xf32>
        %le3A_385 = arith.cmpf ole, %get3A_323, %get3A_328 : vector<16xf32>
        %gt3A_386 = arith.cmpf ogt, %get3A_323, %get3A_348 : vector<16xf32>
        %select_n3A_387 = arith.select %gt3A_386, %add3A_384, %add3A_380 : vector<16xi1>, vector<16xf32>
        %select_n3A_388 = arith.select %le3A_385, %add3A_382, %select_n3A_387 : vector<16xi1>, vector<16xf32>
        %swap3A_389 = arith.index_cast %scan3A_32 : i32 to index
        %swap3A_390 = arith.constant 64 : index
        %swap3A_391 = tpu.vector_load %arg7[%swap3A_389, %swap3A_390] {strides = array<i32>} : memref<64x256xf32, #tpu.memory_space<vmem>>, vector<1x16xf32>,
        %swap3A_392 = vector.shape_cast %swap3A_391 : vector<1x16xf32> to vector<16xf32>
        %swap3A_393 = vector.shape_cast %select_n3A_388 : vector<16xf32> to vector<1x16xf32>
        tpu.vector_store %arg7[%swap3A_389, %swap3A_390], %swap3A_393 {strides = array<i32>} : memref<64x256xf32, #tpu.memory_space<vmem>>, vector<1x16xf32>,
        %get3A_394 = arith.index_cast %scan3A_32 : i32 to index
        %get3A_395 = arith.constant 80 : index
        %get3A_396 = tpu.vector_load %arg6[%get3A_394, %get3A_395] {strides = array<i32>} : memref<64x256xf32, #tpu.memory_space<vmem>>, vector<1x16xf32>,
        %get3A_397 = vector.shape_cast %get3A_396 : vector<1x16xf32> to vector<16xf32>
        %get3A_398 = arith.constant 0 : i32
        %get3A_399 = arith.index_cast %get3A_398 : i32 to index
        %get3A_400 = arith.constant 80 : index
        %get3A_401 = tpu.vector_load %arg5[%get3A_399, %get3A_400] {strides = array<i32>} : memref<6x256xf32, #tpu.memory_space<vmem>>, vector<1x16xf32>,
        %get3A_402 = vector.shape_cast %get3A_401 : vector<1x16xf32> to vector<16xf32>
        %get3A_403 = arith.constant 1 : i32
        %get3A_404 = arith.index_cast %get3A_403 : i32 to index
        %get3A_405 = arith.constant 80 : index
        %get3A_406 = tpu.vector_load %arg5[%get3A_404, %get3A_405] {strides = array<i32>} : memref<6x256xf32, #tpu.memory_space<vmem>>, vector<1x16xf32>,
        %get3A_407 = vector.shape_cast %get3A_406 : vector<1x16xf32> to vector<16xf32>
        %get3A_408 = arith.constant 2 : i32
        %get3A_409 = arith.index_cast %get3A_408 : i32 to index
        %get3A_410 = arith.constant 80 : index
        %get3A_411 = tpu.vector_load %arg5[%get3A_409, %get3A_410] {strides = array<i32>} : memref<6x256xf32, #tpu.memory_space<vmem>>, vector<1x16xf32>,
        %get3A_412 = vector.shape_cast %get3A_411 : vector<1x16xf32> to vector<16xf32>
        %get3A_413 = arith.constant 3 : i32
        %get3A_414 = arith.index_cast %get3A_413 : i32 to index
        %get3A_415 = arith.constant 80 : index
        %get3A_416 = tpu.vector_load %arg5[%get3A_414, %get3A_415] {strides = array<i32>} : memref<6x256xf32, #tpu.memory_space<vmem>>, vector<1x16xf32>,
        %get3A_417 = vector.shape_cast %get3A_416 : vector<1x16xf32> to vector<16xf32>
        %get3A_418 = arith.constant 4 : i32
        %get3A_419 = arith.index_cast %get3A_418 : i32 to index
        %get3A_420 = arith.constant 80 : index
        %get3A_421 = tpu.vector_load %arg5[%get3A_419, %get3A_420] {strides = array<i32>} : memref<6x256xf32, #tpu.memory_space<vmem>>, vector<1x16xf32>,
        %get3A_422 = vector.shape_cast %get3A_421 : vector<1x16xf32> to vector<16xf32>
        %get3A_423 = arith.constant 5 : i32
        %get3A_424 = arith.index_cast %get3A_423 : i32 to index
        %get3A_425 = arith.constant 80 : index
        %get3A_426 = tpu.vector_load %arg5[%get3A_424, %get3A_425] {strides = array<i32>} : memref<6x256xf32, #tpu.memory_space<vmem>>, vector<1x16xf32>,
        %get3A_427 = vector.shape_cast %get3A_426 : vector<1x16xf32> to vector<16xf32>
        %sub3A_428 = arith.subf %get3A_397, %get3A_402 : vector<16xf32>
        %mul3A_429 = arith.mulf %sub3A_428, %get3A_407 : vector<16xf32>
        %max3A_430 = arith.constant 0.000000e+00 : f32
        %max3A_431 = vector.broadcast %max3A_430 : f32 to vector<16xf32>
        %max3A_432 = arith.maximumf %mul3A_429, %max3A_431 : vector<16xf32>
        %min3A_433 = arith.constant 3.000000e+01 : f32
        %min3A_434 = vector.broadcast %min3A_433 : f32 to vector<16xf32>
        %min3A_435 = arith.minimumf %max3A_432, %min3A_434 : vector<16xf32>
        %convert_element_type3A_436 = arith.fptosi %min3A_435 : vector<16xf32> to vector<16xi32>
        %convert_element_type3A_437 = arith.sitofp %convert_element_type3A_436 : vector<16xi32> to vector<16xf32>
        %sub3A_438 = arith.subf %mul3A_429, %convert_element_type3A_437 : vector<16xf32>
        %max3A_439 = arith.constant 0.000000e+00 : f32
        %max3A_440 = vector.broadcast %max3A_439 : f32 to vector<16xf32>
        %max3A_441 = arith.maximumf %sub3A_438, %max3A_440 : vector<16xf32>
        %min3A_442 = arith.constant 1.000000e+00 : f32
        %min3A_443 = vector.broadcast %min3A_442 : f32 to vector<16xf32>
        %min3A_444 = arith.minimumf %max3A_441, %min3A_443 : vector<16xf32>
        %mul3A_445 = arith.mulf %min3A_444, %min3A_444 : vector<16xf32>
        %sub3A_446 = arith.constant 1.000000e+00 : f32
        %sub3A_447 = vector.broadcast %sub3A_446 : f32 to vector<16xf32>
        %sub3A_448 = arith.subf %sub3A_447, %min3A_444 : vector<16xf32>
        %mul3A_449 = arith.mulf %min3A_444, %sub3A_448 : vector<16xf32>
        %add3A_450 = arith.addf %mul3A_445, %mul3A_449 : vector<16xf32>
        %mul3A_451 = arith.mulf %convert_element_type3A_437, %get3A_412 : vector<16xf32>
        %add3A_452 = arith.addf %get3A_417, %mul3A_451 : vector<16xf32>
        %mul3A_453 = arith.mulf %get3A_412, %add3A_450 : vector<16xf32>
        %add3A_454 = arith.addf %add3A_452, %mul3A_453 : vector<16xf32>
        %sub3A_455 = arith.subf %get3A_397, %get3A_402 : vector<16xf32>
        %add3A_456 = arith.addf %get3A_417, %sub3A_455 : vector<16xf32>
        %sub3A_457 = arith.subf %get3A_397, %get3A_422 : vector<16xf32>
        %add3A_458 = arith.addf %get3A_427, %sub3A_457 : vector<16xf32>
        %le3A_459 = arith.cmpf ole, %get3A_397, %get3A_402 : vector<16xf32>
        %gt3A_460 = arith.cmpf ogt, %get3A_397, %get3A_422 : vector<16xf32>
        %select_n3A_461 = arith.select %gt3A_460, %add3A_458, %add3A_454 : vector<16xi1>, vector<16xf32>
        %select_n3A_462 = arith.select %le3A_459, %add3A_456, %select_n3A_461 : vector<16xi1>, vector<16xf32>
        %swap3A_463 = arith.index_cast %scan3A_32 : i32 to index
        %swap3A_464 = arith.constant 80 : index
        %swap3A_465 = tpu.vector_load %arg7[%swap3A_463, %swap3A_464] {strides = array<i32>} : memref<64x256xf32, #tpu.memory_space<vmem>>, vector<1x16xf32>,
        %swap3A_466 = vector.shape_cast %swap3A_465 : vector<1x16xf32> to vector<16xf32>
        %swap3A_467 = vector.shape_cast %select_n3A_462 : vector<16xf32> to vector<1x16xf32>
        tpu.vector_store %arg7[%swap3A_463, %swap3A_464], %swap3A_467 {strides = array<i32>} : memref<64x256xf32, #tpu.memory_space<vmem>>, vector<1x16xf32>,
        %get3A_468 = arith.index_cast %scan3A_32 : i32 to index
        %get3A_469 = arith.constant 96 : index
        %get3A_470 = tpu.vector_load %arg6[%get3A_468, %get3A_469] {strides = array<i32>} : memref<64x256xf32, #tpu.memory_space<vmem>>, vector<1x16xf32>,
        %get3A_471 = vector.shape_cast %get3A_470 : vector<1x16xf32> to vector<16xf32>
        %get3A_472 = arith.constant 0 : i32
        %get3A_473 = arith.index_cast %get3A_472 : i32 to index
        %get3A_474 = arith.constant 96 : index
        %get3A_475 = tpu.vector_load %arg5[%get3A_473, %get3A_474] {strides = array<i32>} : memref<6x256xf32, #tpu.memory_space<vmem>>, vector<1x16xf32>,
        %get3A_476 = vector.shape_cast %get3A_475 : vector<1x16xf32> to vector<16xf32>
        %get3A_477 = arith.constant 1 : i32
        %get3A_478 = arith.index_cast %get3A_477 : i32 to index
        %get3A_479 = arith.constant 96 : index
        %get3A_480 = tpu.vector_load %arg5[%get3A_478, %get3A_479] {strides = array<i32>} : memref<6x256xf32, #tpu.memory_space<vmem>>, vector<1x16xf32>,
        %get3A_481 = vector.shape_cast %get3A_480 : vector<1x16xf32> to vector<16xf32>
        %get3A_482 = arith.constant 2 : i32
        %get3A_483 = arith.index_cast %get3A_482 : i32 to index
        %get3A_484 = arith.constant 96 : index
        %get3A_485 = tpu.vector_load %arg5[%get3A_483, %get3A_484] {strides = array<i32>} : memref<6x256xf32, #tpu.memory_space<vmem>>, vector<1x16xf32>,
        %get3A_486 = vector.shape_cast %get3A_485 : vector<1x16xf32> to vector<16xf32>
        %get3A_487 = arith.constant 3 : i32
        %get3A_488 = arith.index_cast %get3A_487 : i32 to index
        %get3A_489 = arith.constant 96 : index
        %get3A_490 = tpu.vector_load %arg5[%get3A_488, %get3A_489] {strides = array<i32>} : memref<6x256xf32, #tpu.memory_space<vmem>>, vector<1x16xf32>,
        %get3A_491 = vector.shape_cast %get3A_490 : vector<1x16xf32> to vector<16xf32>
        %get3A_492 = arith.constant 4 : i32
        %get3A_493 = arith.index_cast %get3A_492 : i32 to index
        %get3A_494 = arith.constant 96 : index
        %get3A_495 = tpu.vector_load %arg5[%get3A_493, %get3A_494] {strides = array<i32>} : memref<6x256xf32, #tpu.memory_space<vmem>>, vector<1x16xf32>,
        %get3A_496 = vector.shape_cast %get3A_495 : vector<1x16xf32> to vector<16xf32>
        %get3A_497 = arith.constant 5 : i32
        %get3A_498 = arith.index_cast %get3A_497 : i32 to index
        %get3A_499 = arith.constant 96 : index
        %get3A_500 = tpu.vector_load %arg5[%get3A_498, %get3A_499] {strides = array<i32>} : memref<6x256xf32, #tpu.memory_space<vmem>>, vector<1x16xf32>,
        %get3A_501 = vector.shape_cast %get3A_500 : vector<1x16xf32> to vector<16xf32>
        %sub3A_502 = arith.subf %get3A_471, %get3A_476 : vector<16xf32>
        %mul3A_503 = arith.mulf %sub3A_502, %get3A_481 : vector<16xf32>
        %max3A_504 = arith.constant 0.000000e+00 : f32
        %max3A_505 = vector.broadcast %max3A_504 : f32 to vector<16xf32>
        %max3A_506 = arith.maximumf %mul3A_503, %max3A_505 : vector<16xf32>
        %min3A_507 = arith.constant 3.000000e+01 : f32
        %min3A_508 = vector.broadcast %min3A_507 : f32 to vector<16xf32>
        %min3A_509 = arith.minimumf %max3A_506, %min3A_508 : vector<16xf32>
        %convert_element_type3A_510 = arith.fptosi %min3A_509 : vector<16xf32> to vector<16xi32>
        %convert_element_type3A_511 = arith.sitofp %convert_element_type3A_510 : vector<16xi32> to vector<16xf32>
        %sub3A_512 = arith.subf %mul3A_503, %convert_element_type3A_511 : vector<16xf32>
        %max3A_513 = arith.constant 0.000000e+00 : f32
        %max3A_514 = vector.broadcast %max3A_513 : f32 to vector<16xf32>
        %max3A_515 = arith.maximumf %sub3A_512, %max3A_514 : vector<16xf32>
        %min3A_516 = arith.constant 1.000000e+00 : f32
        %min3A_517 = vector.broadcast %min3A_516 : f32 to vector<16xf32>
        %min3A_518 = arith.minimumf %max3A_515, %min3A_517 : vector<16xf32>
        %mul3A_519 = arith.mulf %min3A_518, %min3A_518 : vector<16xf32>
        %sub3A_520 = arith.constant 1.000000e+00 : f32
        %sub3A_521 = vector.broadcast %sub3A_520 : f32 to vector<16xf32>
        %sub3A_522 = arith.subf %sub3A_521, %min3A_518 : vector<16xf32>
        %mul3A_523 = arith.mulf %min3A_518, %sub3A_522 : vector<16xf32>
        %add3A_524 = arith.addf %mul3A_519, %mul3A_523 : vector<16xf32>
        %mul3A_525 = arith.mulf %convert_element_type3A_511, %get3A_486 : vector<16xf32>
        %add3A_526 = arith.addf %get3A_491, %mul3A_525 : vector<16xf32>
        %mul3A_527 = arith.mulf %get3A_486, %add3A_524 : vector<16xf32>
        %add3A_528 = arith.addf %add3A_526, %mul3A_527 : vector<16xf32>
        %sub3A_529 = arith.subf %get3A_471, %get3A_476 : vector<16xf32>
        %add3A_530 = arith.addf %get3A_491, %sub3A_529 : vector<16xf32>
        %sub3A_531 = arith.subf %get3A_471, %get3A_496 : vector<16xf32>
        %add3A_532 = arith.addf %get3A_501, %sub3A_531 : vector<16xf32>
        %le3A_533 = arith.cmpf ole, %get3A_471, %get3A_476 : vector<16xf32>
        %gt3A_534 = arith.cmpf ogt, %get3A_471, %get3A_496 : vector<16xf32>
        %select_n3A_535 = arith.select %gt3A_534, %add3A_532, %add3A_528 : vector<16xi1>, vector<16xf32>
        %select_n3A_536 = arith.select %le3A_533, %add3A_530, %select_n3A_535 : vector<16xi1>, vector<16xf32>
        %swap3A_537 = arith.index_cast %scan3A_32 : i32 to index
        %swap3A_538 = arith.constant 96 : index
        %swap3A_539 = tpu.vector_load %arg7[%swap3A_537, %swap3A_538] {strides = array<i32>} : memref<64x256xf32, #tpu.memory_space<vmem>>, vector<1x16xf32>,
        %swap3A_540 = vector.shape_cast %swap3A_539 : vector<1x16xf32> to vector<16xf32>
        %swap3A_541 = vector.shape_cast %select_n3A_536 : vector<16xf32> to vector<1x16xf32>
        tpu.vector_store %arg7[%swap3A_537, %swap3A_538], %swap3A_541 {strides = array<i32>} : memref<64x256xf32, #tpu.memory_space<vmem>>, vector<1x16xf32>,
        %get3A_542 = arith.index_cast %scan3A_32 : i32 to index
        %get3A_543 = arith.constant 112 : index
        %get3A_544 = tpu.vector_load %arg6[%get3A_542, %get3A_543] {strides = array<i32>} : memref<64x256xf32, #tpu.memory_space<vmem>>, vector<1x16xf32>,
        %get3A_545 = vector.shape_cast %get3A_544 : vector<1x16xf32> to vector<16xf32>
        %get3A_546 = arith.constant 0 : i32
        %get3A_547 = arith.index_cast %get3A_546 : i32 to index
        %get3A_548 = arith.constant 112 : index
        %get3A_549 = tpu.vector_load %arg5[%get3A_547, %get3A_548] {strides = array<i32>} : memref<6x256xf32, #tpu.memory_space<vmem>>, vector<1x16xf32>,
        %get3A_550 = vector.shape_cast %get3A_549 : vector<1x16xf32> to vector<16xf32>
        %get3A_551 = arith.constant 1 : i32
        %get3A_552 = arith.index_cast %get3A_551 : i32 to index
        %get3A_553 = arith.constant 112 : index
        %get3A_554 = tpu.vector_load %arg5[%get3A_552, %get3A_553] {strides = array<i32>} : memref<6x256xf32, #tpu.memory_space<vmem>>, vector<1x16xf32>,
        %get3A_555 = vector.shape_cast %get3A_554 : vector<1x16xf32> to vector<16xf32>
        %get3A_556 = arith.constant 2 : i32
        %get3A_557 = arith.index_cast %get3A_556 : i32 to index
        %get3A_558 = arith.constant 112 : index
        %get3A_559 = tpu.vector_load %arg5[%get3A_557, %get3A_558] {strides = array<i32>} : memref<6x256xf32, #tpu.memory_space<vmem>>, vector<1x16xf32>,
        %get3A_560 = vector.shape_cast %get3A_559 : vector<1x16xf32> to vector<16xf32>
        %get3A_561 = arith.constant 3 : i32
        %get3A_562 = arith.index_cast %get3A_561 : i32 to index
        %get3A_563 = arith.constant 112 : index
        %get3A_564 = tpu.vector_load %arg5[%get3A_562, %get3A_563] {strides = array<i32>} : memref<6x256xf32, #tpu.memory_space<vmem>>, vector<1x16xf32>,
        %get3A_565 = vector.shape_cast %get3A_564 : vector<1x16xf32> to vector<16xf32>
        %get3A_566 = arith.constant 4 : i32
        %get3A_567 = arith.index_cast %get3A_566 : i32 to index
        %get3A_568 = arith.constant 112 : index
        %get3A_569 = tpu.vector_load %arg5[%get3A_567, %get3A_568] {strides = array<i32>} : memref<6x256xf32, #tpu.memory_space<vmem>>, vector<1x16xf32>,
        %get3A_570 = vector.shape_cast %get3A_569 : vector<1x16xf32> to vector<16xf32>
        %get3A_571 = arith.constant 5 : i32
        %get3A_572 = arith.index_cast %get3A_571 : i32 to index
        %get3A_573 = arith.constant 112 : index
        %get3A_574 = tpu.vector_load %arg5[%get3A_572, %get3A_573] {strides = array<i32>} : memref<6x256xf32, #tpu.memory_space<vmem>>, vector<1x16xf32>,
        %get3A_575 = vector.shape_cast %get3A_574 : vector<1x16xf32> to vector<16xf32>
        %sub3A_576 = arith.subf %get3A_545, %get3A_550 : vector<16xf32>
        %mul3A_577 = arith.mulf %sub3A_576, %get3A_555 : vector<16xf32>
        %max3A_578 = arith.constant 0.000000e+00 : f32
        %max3A_579 = vector.broadcast %max3A_578 : f32 to vector<16xf32>
        %max3A_580 = arith.maximumf %mul3A_577, %max3A_579 : vector<16xf32>
        %min3A_581 = arith.constant 3.000000e+01 : f32
        %min3A_582 = vector.broadcast %min3A_581 : f32 to vector<16xf32>
        %min3A_583 = arith.minimumf %max3A_580, %min3A_582 : vector<16xf32>
        %convert_element_type3A_584 = arith.fptosi %min3A_583 : vector<16xf32> to vector<16xi32>
        %convert_element_type3A_585 = arith.sitofp %convert_element_type3A_584 : vector<16xi32> to vector<16xf32>
        %sub3A_586 = arith.subf %mul3A_577, %convert_element_type3A_585 : vector<16xf32>
        %max3A_587 = arith.constant 0.000000e+00 : f32
        %max3A_588 = vector.broadcast %max3A_587 : f32 to vector<16xf32>
        %max3A_589 = arith.maximumf %sub3A_586, %max3A_588 : vector<16xf32>
        %min3A_590 = arith.constant 1.000000e+00 : f32
        %min3A_591 = vector.broadcast %min3A_590 : f32 to vector<16xf32>
        %min3A_592 = arith.minimumf %max3A_589, %min3A_591 : vector<16xf32>
        %mul3A_593 = arith.mulf %min3A_592, %min3A_592 : vector<16xf32>
        %sub3A_594 = arith.constant 1.000000e+00 : f32
        %sub3A_595 = vector.broadcast %sub3A_594 : f32 to vector<16xf32>
        %sub3A_596 = arith.subf %sub3A_595, %min3A_592 : vector<16xf32>
        %mul3A_597 = arith.mulf %min3A_592, %sub3A_596 : vector<16xf32>
        %add3A_598 = arith.addf %mul3A_593, %mul3A_597 : vector<16xf32>
        %mul3A_599 = arith.mulf %convert_element_type3A_585, %get3A_560 : vector<16xf32>
        %add3A_600 = arith.addf %get3A_565, %mul3A_599 : vector<16xf32>
        %mul3A_601 = arith.mulf %get3A_560, %add3A_598 : vector<16xf32>
        %add3A_602 = arith.addf %add3A_600, %mul3A_601 : vector<16xf32>
        %sub3A_603 = arith.subf %get3A_545, %get3A_550 : vector<16xf32>
        %add3A_604 = arith.addf %get3A_565, %sub3A_603 : vector<16xf32>
        %sub3A_605 = arith.subf %get3A_545, %get3A_570 : vector<16xf32>
        %add3A_606 = arith.addf %get3A_575, %sub3A_605 : vector<16xf32>
        %le3A_607 = arith.cmpf ole, %get3A_545, %get3A_550 : vector<16xf32>
        %gt3A_608 = arith.cmpf ogt, %get3A_545, %get3A_570 : vector<16xf32>
        %select_n3A_609 = arith.select %gt3A_608, %add3A_606, %add3A_602 : vector<16xi1>, vector<16xf32>
        %select_n3A_610 = arith.select %le3A_607, %add3A_604, %select_n3A_609 : vector<16xi1>, vector<16xf32>
        %swap3A_611 = arith.index_cast %scan3A_32 : i32 to index
        %swap3A_612 = arith.constant 112 : index
        %swap3A_613 = tpu.vector_load %arg7[%swap3A_611, %swap3A_612] {strides = array<i32>} : memref<64x256xf32, #tpu.memory_space<vmem>>, vector<1x16xf32>,
        %swap3A_614 = vector.shape_cast %swap3A_613 : vector<1x16xf32> to vector<16xf32>
        %swap3A_615 = vector.shape_cast %select_n3A_610 : vector<16xf32> to vector<1x16xf32>
        tpu.vector_store %arg7[%swap3A_611, %swap3A_612], %swap3A_615 {strides = array<i32>} : memref<64x256xf32, #tpu.memory_space<vmem>>, vector<1x16xf32>,
        %get3A_616 = arith.index_cast %scan3A_32 : i32 to index
        %get3A_617 = arith.constant 128 : index
        %get3A_618 = tpu.vector_load %arg6[%get3A_616, %get3A_617] {strides = array<i32>} : memref<64x256xf32, #tpu.memory_space<vmem>>, vector<1x16xf32>,
        %get3A_619 = vector.shape_cast %get3A_618 : vector<1x16xf32> to vector<16xf32>
        %get3A_620 = arith.constant 0 : i32
        %get3A_621 = arith.index_cast %get3A_620 : i32 to index
        %get3A_622 = arith.constant 128 : index
        %get3A_623 = tpu.vector_load %arg5[%get3A_621, %get3A_622] {strides = array<i32>} : memref<6x256xf32, #tpu.memory_space<vmem>>, vector<1x16xf32>,
        %get3A_624 = vector.shape_cast %get3A_623 : vector<1x16xf32> to vector<16xf32>
        %get3A_625 = arith.constant 1 : i32
        %get3A_626 = arith.index_cast %get3A_625 : i32 to index
        %get3A_627 = arith.constant 128 : index
        %get3A_628 = tpu.vector_load %arg5[%get3A_626, %get3A_627] {strides = array<i32>} : memref<6x256xf32, #tpu.memory_space<vmem>>, vector<1x16xf32>,
        %get3A_629 = vector.shape_cast %get3A_628 : vector<1x16xf32> to vector<16xf32>
        %get3A_630 = arith.constant 2 : i32
        %get3A_631 = arith.index_cast %get3A_630 : i32 to index
        %get3A_632 = arith.constant 128 : index
        %get3A_633 = tpu.vector_load %arg5[%get3A_631, %get3A_632] {strides = array<i32>} : memref<6x256xf32, #tpu.memory_space<vmem>>, vector<1x16xf32>,
        %get3A_634 = vector.shape_cast %get3A_633 : vector<1x16xf32> to vector<16xf32>
        %get3A_635 = arith.constant 3 : i32
        %get3A_636 = arith.index_cast %get3A_635 : i32 to index
        %get3A_637 = arith.constant 128 : index
        %get3A_638 = tpu.vector_load %arg5[%get3A_636, %get3A_637] {strides = array<i32>} : memref<6x256xf32, #tpu.memory_space<vmem>>, vector<1x16xf32>,
        %get3A_639 = vector.shape_cast %get3A_638 : vector<1x16xf32> to vector<16xf32>
        %get3A_640 = arith.constant 4 : i32
        %get3A_641 = arith.index_cast %get3A_640 : i32 to index
        %get3A_642 = arith.constant 128 : index
        %get3A_643 = tpu.vector_load %arg5[%get3A_641, %get3A_642] {strides = array<i32>} : memref<6x256xf32, #tpu.memory_space<vmem>>, vector<1x16xf32>,
        %get3A_644 = vector.shape_cast %get3A_643 : vector<1x16xf32> to vector<16xf32>
        %get3A_645 = arith.constant 5 : i32
        %get3A_646 = arith.index_cast %get3A_645 : i32 to index
        %get3A_647 = arith.constant 128 : index
        %get3A_648 = tpu.vector_load %arg5[%get3A_646, %get3A_647] {strides = array<i32>} : memref<6x256xf32, #tpu.memory_space<vmem>>, vector<1x16xf32>,
        %get3A_649 = vector.shape_cast %get3A_648 : vector<1x16xf32> to vector<16xf32>
        %sub3A_650 = arith.subf %get3A_619, %get3A_624 : vector<16xf32>
        %mul3A_651 = arith.mulf %sub3A_650, %get3A_629 : vector<16xf32>
        %max3A_652 = arith.constant 0.000000e+00 : f32
        %max3A_653 = vector.broadcast %max3A_652 : f32 to vector<16xf32>
        %max3A_654 = arith.maximumf %mul3A_651, %max3A_653 : vector<16xf32>
        %min3A_655 = arith.constant 3.000000e+01 : f32
        %min3A_656 = vector.broadcast %min3A_655 : f32 to vector<16xf32>
        %min3A_657 = arith.minimumf %max3A_654, %min3A_656 : vector<16xf32>
        %convert_element_type3A_658 = arith.fptosi %min3A_657 : vector<16xf32> to vector<16xi32>
        %convert_element_type3A_659 = arith.sitofp %convert_element_type3A_658 : vector<16xi32> to vector<16xf32>
        %sub3A_660 = arith.subf %mul3A_651, %convert_element_type3A_659 : vector<16xf32>
        %max3A_661 = arith.constant 0.000000e+00 : f32
        %max3A_662 = vector.broadcast %max3A_661 : f32 to vector<16xf32>
        %max3A_663 = arith.maximumf %sub3A_660, %max3A_662 : vector<16xf32>
        %min3A_664 = arith.constant 1.000000e+00 : f32
        %min3A_665 = vector.broadcast %min3A_664 : f32 to vector<16xf32>
        %min3A_666 = arith.minimumf %max3A_663, %min3A_665 : vector<16xf32>
        %mul3A_667 = arith.mulf %min3A_666, %min3A_666 : vector<16xf32>
        %sub3A_668 = arith.constant 1.000000e+00 : f32
        %sub3A_669 = vector.broadcast %sub3A_668 : f32 to vector<16xf32>
        %sub3A_670 = arith.subf %sub3A_669, %min3A_666 : vector<16xf32>
        %mul3A_671 = arith.mulf %min3A_666, %sub3A_670 : vector<16xf32>
        %add3A_672 = arith.addf %mul3A_667, %mul3A_671 : vector<16xf32>
        %mul3A_673 = arith.mulf %convert_element_type3A_659, %get3A_634 : vector<16xf32>
        %add3A_674 = arith.addf %get3A_639, %mul3A_673 : vector<16xf32>
        %mul3A_675 = arith.mulf %get3A_634, %add3A_672 : vector<16xf32>
        %add3A_676 = arith.addf %add3A_674, %mul3A_675 : vector<16xf32>
        %sub3A_677 = arith.subf %get3A_619, %get3A_624 : vector<16xf32>
        %add3A_678 = arith.addf %get3A_639, %sub3A_677 : vector<16xf32>
        %sub3A_679 = arith.subf %get3A_619, %get3A_644 : vector<16xf32>
        %add3A_680 = arith.addf %get3A_649, %sub3A_679 : vector<16xf32>
        %le3A_681 = arith.cmpf ole, %get3A_619, %get3A_624 : vector<16xf32>
        %gt3A_682 = arith.cmpf ogt, %get3A_619, %get3A_644 : vector<16xf32>
        %select_n3A_683 = arith.select %gt3A_682, %add3A_680, %add3A_676 : vector<16xi1>, vector<16xf32>
        %select_n3A_684 = arith.select %le3A_681, %add3A_678, %select_n3A_683 : vector<16xi1>, vector<16xf32>
        %swap3A_685 = arith.index_cast %scan3A_32 : i32 to index
        %swap3A_686 = arith.constant 128 : index
        %swap3A_687 = tpu.vector_load %arg7[%swap3A_685, %swap3A_686] {strides = array<i32>} : memref<64x256xf32, #tpu.memory_space<vmem>>, vector<1x16xf32>,
        %swap3A_688 = vector.shape_cast %swap3A_687 : vector<1x16xf32> to vector<16xf32>
        %swap3A_689 = vector.shape_cast %select_n3A_684 : vector<16xf32> to vector<1x16xf32>
        tpu.vector_store %arg7[%swap3A_685, %swap3A_686], %swap3A_689 {strides = array<i32>} : memref<64x256xf32, #tpu.memory_space<vmem>>, vector<1x16xf32>,
        %get3A_690 = arith.index_cast %scan3A_32 : i32 to index
        %get3A_691 = arith.constant 144 : index
        %get3A_692 = tpu.vector_load %arg6[%get3A_690, %get3A_691] {strides = array<i32>} : memref<64x256xf32, #tpu.memory_space<vmem>>, vector<1x16xf32>,
        %get3A_693 = vector.shape_cast %get3A_692 : vector<1x16xf32> to vector<16xf32>
        %get3A_694 = arith.constant 0 : i32
        %get3A_695 = arith.index_cast %get3A_694 : i32 to index
        %get3A_696 = arith.constant 144 : index
        %get3A_697 = tpu.vector_load %arg5[%get3A_695, %get3A_696] {strides = array<i32>} : memref<6x256xf32, #tpu.memory_space<vmem>>, vector<1x16xf32>,
        %get3A_698 = vector.shape_cast %get3A_697 : vector<1x16xf32> to vector<16xf32>
        %get3A_699 = arith.constant 1 : i32
        %get3A_700 = arith.index_cast %get3A_699 : i32 to index
        %get3A_701 = arith.constant 144 : index
        %get3A_702 = tpu.vector_load %arg5[%get3A_700, %get3A_701] {strides = array<i32>} : memref<6x256xf32, #tpu.memory_space<vmem>>, vector<1x16xf32>,
        %get3A_703 = vector.shape_cast %get3A_702 : vector<1x16xf32> to vector<16xf32>
        %get3A_704 = arith.constant 2 : i32
        %get3A_705 = arith.index_cast %get3A_704 : i32 to index
        %get3A_706 = arith.constant 144 : index
        %get3A_707 = tpu.vector_load %arg5[%get3A_705, %get3A_706] {strides = array<i32>} : memref<6x256xf32, #tpu.memory_space<vmem>>, vector<1x16xf32>,
        %get3A_708 = vector.shape_cast %get3A_707 : vector<1x16xf32> to vector<16xf32>
        %get3A_709 = arith.constant 3 : i32
        %get3A_710 = arith.index_cast %get3A_709 : i32 to index
        %get3A_711 = arith.constant 144 : index
        %get3A_712 = tpu.vector_load %arg5[%get3A_710, %get3A_711] {strides = array<i32>} : memref<6x256xf32, #tpu.memory_space<vmem>>, vector<1x16xf32>,
        %get3A_713 = vector.shape_cast %get3A_712 : vector<1x16xf32> to vector<16xf32>
        %get3A_714 = arith.constant 4 : i32
        %get3A_715 = arith.index_cast %get3A_714 : i32 to index
        %get3A_716 = arith.constant 144 : index
        %get3A_717 = tpu.vector_load %arg5[%get3A_715, %get3A_716] {strides = array<i32>} : memref<6x256xf32, #tpu.memory_space<vmem>>, vector<1x16xf32>,
        %get3A_718 = vector.shape_cast %get3A_717 : vector<1x16xf32> to vector<16xf32>
        %get3A_719 = arith.constant 5 : i32
        %get3A_720 = arith.index_cast %get3A_719 : i32 to index
        %get3A_721 = arith.constant 144 : index
        %get3A_722 = tpu.vector_load %arg5[%get3A_720, %get3A_721] {strides = array<i32>} : memref<6x256xf32, #tpu.memory_space<vmem>>, vector<1x16xf32>,
        %get3A_723 = vector.shape_cast %get3A_722 : vector<1x16xf32> to vector<16xf32>
        %sub3A_724 = arith.subf %get3A_693, %get3A_698 : vector<16xf32>
        %mul3A_725 = arith.mulf %sub3A_724, %get3A_703 : vector<16xf32>
        %max3A_726 = arith.constant 0.000000e+00 : f32
        %max3A_727 = vector.broadcast %max3A_726 : f32 to vector<16xf32>
        %max3A_728 = arith.maximumf %mul3A_725, %max3A_727 : vector<16xf32>
        %min3A_729 = arith.constant 3.000000e+01 : f32
        %min3A_730 = vector.broadcast %min3A_729 : f32 to vector<16xf32>
        %min3A_731 = arith.minimumf %max3A_728, %min3A_730 : vector<16xf32>
        %convert_element_type3A_732 = arith.fptosi %min3A_731 : vector<16xf32> to vector<16xi32>
        %convert_element_type3A_733 = arith.sitofp %convert_element_type3A_732 : vector<16xi32> to vector<16xf32>
        %sub3A_734 = arith.subf %mul3A_725, %convert_element_type3A_733 : vector<16xf32>
        %max3A_735 = arith.constant 0.000000e+00 : f32
        %max3A_736 = vector.broadcast %max3A_735 : f32 to vector<16xf32>
        %max3A_737 = arith.maximumf %sub3A_734, %max3A_736 : vector<16xf32>
        %min3A_738 = arith.constant 1.000000e+00 : f32
        %min3A_739 = vector.broadcast %min3A_738 : f32 to vector<16xf32>
        %min3A_740 = arith.minimumf %max3A_737, %min3A_739 : vector<16xf32>
        %mul3A_741 = arith.mulf %min3A_740, %min3A_740 : vector<16xf32>
        %sub3A_742 = arith.constant 1.000000e+00 : f32
        %sub3A_743 = vector.broadcast %sub3A_742 : f32 to vector<16xf32>
        %sub3A_744 = arith.subf %sub3A_743, %min3A_740 : vector<16xf32>
        %mul3A_745 = arith.mulf %min3A_740, %sub3A_744 : vector<16xf32>
        %add3A_746 = arith.addf %mul3A_741, %mul3A_745 : vector<16xf32>
        %mul3A_747 = arith.mulf %convert_element_type3A_733, %get3A_708 : vector<16xf32>
        %add3A_748 = arith.addf %get3A_713, %mul3A_747 : vector<16xf32>
        %mul3A_749 = arith.mulf %get3A_708, %add3A_746 : vector<16xf32>
        %add3A_750 = arith.addf %add3A_748, %mul3A_749 : vector<16xf32>
        %sub3A_751 = arith.subf %get3A_693, %get3A_698 : vector<16xf32>
        %add3A_752 = arith.addf %get3A_713, %sub3A_751 : vector<16xf32>
        %sub3A_753 = arith.subf %get3A_693, %get3A_718 : vector<16xf32>
        %add3A_754 = arith.addf %get3A_723, %sub3A_753 : vector<16xf32>
        %le3A_755 = arith.cmpf ole, %get3A_693, %get3A_698 : vector<16xf32>
        %gt3A_756 = arith.cmpf ogt, %get3A_693, %get3A_718 : vector<16xf32>
        %select_n3A_757 = arith.select %gt3A_756, %add3A_754, %add3A_750 : vector<16xi1>, vector<16xf32>
        %select_n3A_758 = arith.select %le3A_755, %add3A_752, %select_n3A_757 : vector<16xi1>, vector<16xf32>
        %swap3A_759 = arith.index_cast %scan3A_32 : i32 to index
        %swap3A_760 = arith.constant 144 : index
        %swap3A_761 = tpu.vector_load %arg7[%swap3A_759, %swap3A_760] {strides = array<i32>} : memref<64x256xf32, #tpu.memory_space<vmem>>, vector<1x16xf32>,
        %swap3A_762 = vector.shape_cast %swap3A_761 : vector<1x16xf32> to vector<16xf32>
        %swap3A_763 = vector.shape_cast %select_n3A_758 : vector<16xf32> to vector<1x16xf32>
        tpu.vector_store %arg7[%swap3A_759, %swap3A_760], %swap3A_763 {strides = array<i32>} : memref<64x256xf32, #tpu.memory_space<vmem>>, vector<1x16xf32>,
        %get3A_764 = arith.index_cast %scan3A_32 : i32 to index
        %get3A_765 = arith.constant 160 : index
        %get3A_766 = tpu.vector_load %arg6[%get3A_764, %get3A_765] {strides = array<i32>} : memref<64x256xf32, #tpu.memory_space<vmem>>, vector<1x16xf32>,
        %get3A_767 = vector.shape_cast %get3A_766 : vector<1x16xf32> to vector<16xf32>
        %get3A_768 = arith.constant 0 : i32
        %get3A_769 = arith.index_cast %get3A_768 : i32 to index
        %get3A_770 = arith.constant 160 : index
        %get3A_771 = tpu.vector_load %arg5[%get3A_769, %get3A_770] {strides = array<i32>} : memref<6x256xf32, #tpu.memory_space<vmem>>, vector<1x16xf32>,
        %get3A_772 = vector.shape_cast %get3A_771 : vector<1x16xf32> to vector<16xf32>
        %get3A_773 = arith.constant 1 : i32
        %get3A_774 = arith.index_cast %get3A_773 : i32 to index
        %get3A_775 = arith.constant 160 : index
        %get3A_776 = tpu.vector_load %arg5[%get3A_774, %get3A_775] {strides = array<i32>} : memref<6x256xf32, #tpu.memory_space<vmem>>, vector<1x16xf32>,
        %get3A_777 = vector.shape_cast %get3A_776 : vector<1x16xf32> to vector<16xf32>
        %get3A_778 = arith.constant 2 : i32
        %get3A_779 = arith.index_cast %get3A_778 : i32 to index
        %get3A_780 = arith.constant 160 : index
        %get3A_781 = tpu.vector_load %arg5[%get3A_779, %get3A_780] {strides = array<i32>} : memref<6x256xf32, #tpu.memory_space<vmem>>, vector<1x16xf32>,
        %get3A_782 = vector.shape_cast %get3A_781 : vector<1x16xf32> to vector<16xf32>
        %get3A_783 = arith.constant 3 : i32
        %get3A_784 = arith.index_cast %get3A_783 : i32 to index
        %get3A_785 = arith.constant 160 : index
        %get3A_786 = tpu.vector_load %arg5[%get3A_784, %get3A_785] {strides = array<i32>} : memref<6x256xf32, #tpu.memory_space<vmem>>, vector<1x16xf32>,
        %get3A_787 = vector.shape_cast %get3A_786 : vector<1x16xf32> to vector<16xf32>
        %get3A_788 = arith.constant 4 : i32
        %get3A_789 = arith.index_cast %get3A_788 : i32 to index
        %get3A_790 = arith.constant 160 : index
        %get3A_791 = tpu.vector_load %arg5[%get3A_789, %get3A_790] {strides = array<i32>} : memref<6x256xf32, #tpu.memory_space<vmem>>, vector<1x16xf32>,
        %get3A_792 = vector.shape_cast %get3A_791 : vector<1x16xf32> to vector<16xf32>
        %get3A_793 = arith.constant 5 : i32
        %get3A_794 = arith.index_cast %get3A_793 : i32 to index
        %get3A_795 = arith.constant 160 : index
        %get3A_796 = tpu.vector_load %arg5[%get3A_794, %get3A_795] {strides = array<i32>} : memref<6x256xf32, #tpu.memory_space<vmem>>, vector<1x16xf32>,
        %get3A_797 = vector.shape_cast %get3A_796 : vector<1x16xf32> to vector<16xf32>
        %sub3A_798 = arith.subf %get3A_767, %get3A_772 : vector<16xf32>
        %mul3A_799 = arith.mulf %sub3A_798, %get3A_777 : vector<16xf32>
        %max3A_800 = arith.constant 0.000000e+00 : f32
        %max3A_801 = vector.broadcast %max3A_800 : f32 to vector<16xf32>
        %max3A_802 = arith.maximumf %mul3A_799, %max3A_801 : vector<16xf32>
        %min3A_803 = arith.constant 3.000000e+01 : f32
        %min3A_804 = vector.broadcast %min3A_803 : f32 to vector<16xf32>
        %min3A_805 = arith.minimumf %max3A_802, %min3A_804 : vector<16xf32>
        %convert_element_type3A_806 = arith.fptosi %min3A_805 : vector<16xf32> to vector<16xi32>
        %convert_element_type3A_807 = arith.sitofp %convert_element_type3A_806 : vector<16xi32> to vector<16xf32>
        %sub3A_808 = arith.subf %mul3A_799, %convert_element_type3A_807 : vector<16xf32>
        %max3A_809 = arith.constant 0.000000e+00 : f32
        %max3A_810 = vector.broadcast %max3A_809 : f32 to vector<16xf32>
        %max3A_811 = arith.maximumf %sub3A_808, %max3A_810 : vector<16xf32>
        %min3A_812 = arith.constant 1.000000e+00 : f32
        %min3A_813 = vector.broadcast %min3A_812 : f32 to vector<16xf32>
        %min3A_814 = arith.minimumf %max3A_811, %min3A_813 : vector<16xf32>
        %mul3A_815 = arith.mulf %min3A_814, %min3A_814 : vector<16xf32>
        %sub3A_816 = arith.constant 1.000000e+00 : f32
        %sub3A_817 = vector.broadcast %sub3A_816 : f32 to vector<16xf32>
        %sub3A_818 = arith.subf %sub3A_817, %min3A_814 : vector<16xf32>
        %mul3A_819 = arith.mulf %min3A_814, %sub3A_818 : vector<16xf32>
        %add3A_820 = arith.addf %mul3A_815, %mul3A_819 : vector<16xf32>
        %mul3A_821 = arith.mulf %convert_element_type3A_807, %get3A_782 : vector<16xf32>
        %add3A_822 = arith.addf %get3A_787, %mul3A_821 : vector<16xf32>
        %mul3A_823 = arith.mulf %get3A_782, %add3A_820 : vector<16xf32>
        %add3A_824 = arith.addf %add3A_822, %mul3A_823 : vector<16xf32>
        %sub3A_825 = arith.subf %get3A_767, %get3A_772 : vector<16xf32>
        %add3A_826 = arith.addf %get3A_787, %sub3A_825 : vector<16xf32>
        %sub3A_827 = arith.subf %get3A_767, %get3A_792 : vector<16xf32>
        %add3A_828 = arith.addf %get3A_797, %sub3A_827 : vector<16xf32>
        %le3A_829 = arith.cmpf ole, %get3A_767, %get3A_772 : vector<16xf32>
        %gt3A_830 = arith.cmpf ogt, %get3A_767, %get3A_792 : vector<16xf32>
        %select_n3A_831 = arith.select %gt3A_830, %add3A_828, %add3A_824 : vector<16xi1>, vector<16xf32>
        %select_n3A_832 = arith.select %le3A_829, %add3A_826, %select_n3A_831 : vector<16xi1>, vector<16xf32>
        %swap3A_833 = arith.index_cast %scan3A_32 : i32 to index
        %swap3A_834 = arith.constant 160 : index
        %swap3A_835 = tpu.vector_load %arg7[%swap3A_833, %swap3A_834] {strides = array<i32>} : memref<64x256xf32, #tpu.memory_space<vmem>>, vector<1x16xf32>,
        %swap3A_836 = vector.shape_cast %swap3A_835 : vector<1x16xf32> to vector<16xf32>
        %swap3A_837 = vector.shape_cast %select_n3A_832 : vector<16xf32> to vector<1x16xf32>
        tpu.vector_store %arg7[%swap3A_833, %swap3A_834], %swap3A_837 {strides = array<i32>} : memref<64x256xf32, #tpu.memory_space<vmem>>, vector<1x16xf32>,
        %get3A_838 = arith.index_cast %scan3A_32 : i32 to index
        %get3A_839 = arith.constant 176 : index
        %get3A_840 = tpu.vector_load %arg6[%get3A_838, %get3A_839] {strides = array<i32>} : memref<64x256xf32, #tpu.memory_space<vmem>>, vector<1x16xf32>,
        %get3A_841 = vector.shape_cast %get3A_840 : vector<1x16xf32> to vector<16xf32>
        %get3A_842 = arith.constant 0 : i32
        %get3A_843 = arith.index_cast %get3A_842 : i32 to index
        %get3A_844 = arith.constant 176 : index
        %get3A_845 = tpu.vector_load %arg5[%get3A_843, %get3A_844] {strides = array<i32>} : memref<6x256xf32, #tpu.memory_space<vmem>>, vector<1x16xf32>,
        %get3A_846 = vector.shape_cast %get3A_845 : vector<1x16xf32> to vector<16xf32>
        %get3A_847 = arith.constant 1 : i32
        %get3A_848 = arith.index_cast %get3A_847 : i32 to index
        %get3A_849 = arith.constant 176 : index
        %get3A_850 = tpu.vector_load %arg5[%get3A_848, %get3A_849] {strides = array<i32>} : memref<6x256xf32, #tpu.memory_space<vmem>>, vector<1x16xf32>,
        %get3A_851 = vector.shape_cast %get3A_850 : vector<1x16xf32> to vector<16xf32>
        %get3A_852 = arith.constant 2 : i32
        %get3A_853 = arith.index_cast %get3A_852 : i32 to index
        %get3A_854 = arith.constant 176 : index
        %get3A_855 = tpu.vector_load %arg5[%get3A_853, %get3A_854] {strides = array<i32>} : memref<6x256xf32, #tpu.memory_space<vmem>>, vector<1x16xf32>,
        %get3A_856 = vector.shape_cast %get3A_855 : vector<1x16xf32> to vector<16xf32>
        %get3A_857 = arith.constant 3 : i32
        %get3A_858 = arith.index_cast %get3A_857 : i32 to index
        %get3A_859 = arith.constant 176 : index
        %get3A_860 = tpu.vector_load %arg5[%get3A_858, %get3A_859] {strides = array<i32>} : memref<6x256xf32, #tpu.memory_space<vmem>>, vector<1x16xf32>,
        %get3A_861 = vector.shape_cast %get3A_860 : vector<1x16xf32> to vector<16xf32>
        %get3A_862 = arith.constant 4 : i32
        %get3A_863 = arith.index_cast %get3A_862 : i32 to index
        %get3A_864 = arith.constant 176 : index
        %get3A_865 = tpu.vector_load %arg5[%get3A_863, %get3A_864] {strides = array<i32>} : memref<6x256xf32, #tpu.memory_space<vmem>>, vector<1x16xf32>,
        %get3A_866 = vector.shape_cast %get3A_865 : vector<1x16xf32> to vector<16xf32>
        %get3A_867 = arith.constant 5 : i32
        %get3A_868 = arith.index_cast %get3A_867 : i32 to index
        %get3A_869 = arith.constant 176 : index
        %get3A_870 = tpu.vector_load %arg5[%get3A_868, %get3A_869] {strides = array<i32>} : memref<6x256xf32, #tpu.memory_space<vmem>>, vector<1x16xf32>,
        %get3A_871 = vector.shape_cast %get3A_870 : vector<1x16xf32> to vector<16xf32>
        %sub3A_872 = arith.subf %get3A_841, %get3A_846 : vector<16xf32>
        %mul3A_873 = arith.mulf %sub3A_872, %get3A_851 : vector<16xf32>
        %max3A_874 = arith.constant 0.000000e+00 : f32
        %max3A_875 = vector.broadcast %max3A_874 : f32 to vector<16xf32>
        %max3A_876 = arith.maximumf %mul3A_873, %max3A_875 : vector<16xf32>
        %min3A_877 = arith.constant 3.000000e+01 : f32
        %min3A_878 = vector.broadcast %min3A_877 : f32 to vector<16xf32>
        %min3A_879 = arith.minimumf %max3A_876, %min3A_878 : vector<16xf32>
        %convert_element_type3A_880 = arith.fptosi %min3A_879 : vector<16xf32> to vector<16xi32>
        %convert_element_type3A_881 = arith.sitofp %convert_element_type3A_880 : vector<16xi32> to vector<16xf32>
        %sub3A_882 = arith.subf %mul3A_873, %convert_element_type3A_881 : vector<16xf32>
        %max3A_883 = arith.constant 0.000000e+00 : f32
        %max3A_884 = vector.broadcast %max3A_883 : f32 to vector<16xf32>
        %max3A_885 = arith.maximumf %sub3A_882, %max3A_884 : vector<16xf32>
        %min3A_886 = arith.constant 1.000000e+00 : f32
        %min3A_887 = vector.broadcast %min3A_886 : f32 to vector<16xf32>
        %min3A_888 = arith.minimumf %max3A_885, %min3A_887 : vector<16xf32>
        %mul3A_889 = arith.mulf %min3A_888, %min3A_888 : vector<16xf32>
        %sub3A_890 = arith.constant 1.000000e+00 : f32
        %sub3A_891 = vector.broadcast %sub3A_890 : f32 to vector<16xf32>
        %sub3A_892 = arith.subf %sub3A_891, %min3A_888 : vector<16xf32>
        %mul3A_893 = arith.mulf %min3A_888, %sub3A_892 : vector<16xf32>
        %add3A_894 = arith.addf %mul3A_889, %mul3A_893 : vector<16xf32>
        %mul3A_895 = arith.mulf %convert_element_type3A_881, %get3A_856 : vector<16xf32>
        %add3A_896 = arith.addf %get3A_861, %mul3A_895 : vector<16xf32>
        %mul3A_897 = arith.mulf %get3A_856, %add3A_894 : vector<16xf32>
        %add3A_898 = arith.addf %add3A_896, %mul3A_897 : vector<16xf32>
        %sub3A_899 = arith.subf %get3A_841, %get3A_846 : vector<16xf32>
        %add3A_900 = arith.addf %get3A_861, %sub3A_899 : vector<16xf32>
        %sub3A_901 = arith.subf %get3A_841, %get3A_866 : vector<16xf32>
        %add3A_902 = arith.addf %get3A_871, %sub3A_901 : vector<16xf32>
        %le3A_903 = arith.cmpf ole, %get3A_841, %get3A_846 : vector<16xf32>
        %gt3A_904 = arith.cmpf ogt, %get3A_841, %get3A_866 : vector<16xf32>
        %select_n3A_905 = arith.select %gt3A_904, %add3A_902, %add3A_898 : vector<16xi1>, vector<16xf32>
        %select_n3A_906 = arith.select %le3A_903, %add3A_900, %select_n3A_905 : vector<16xi1>, vector<16xf32>
        %swap3A_907 = arith.index_cast %scan3A_32 : i32 to index
        %swap3A_908 = arith.constant 176 : index
        %swap3A_909 = tpu.vector_load %arg7[%swap3A_907, %swap3A_908] {strides = array<i32>} : memref<64x256xf32, #tpu.memory_space<vmem>>, vector<1x16xf32>,
        %swap3A_910 = vector.shape_cast %swap3A_909 : vector<1x16xf32> to vector<16xf32>
        %swap3A_911 = vector.shape_cast %select_n3A_906 : vector<16xf32> to vector<1x16xf32>
        tpu.vector_store %arg7[%swap3A_907, %swap3A_908], %swap3A_911 {strides = array<i32>} : memref<64x256xf32, #tpu.memory_space<vmem>>, vector<1x16xf32>,
        %get3A_912 = arith.index_cast %scan3A_32 : i32 to index
        %get3A_913 = arith.constant 192 : index
        %get3A_914 = tpu.vector_load %arg6[%get3A_912, %get3A_913] {strides = array<i32>} : memref<64x256xf32, #tpu.memory_space<vmem>>, vector<1x16xf32>,
        %get3A_915 = vector.shape_cast %get3A_914 : vector<1x16xf32> to vector<16xf32>
        %get3A_916 = arith.constant 0 : i32
        %get3A_917 = arith.index_cast %get3A_916 : i32 to index
        %get3A_918 = arith.constant 192 : index
        %get3A_919 = tpu.vector_load %arg5[%get3A_917, %get3A_918] {strides = array<i32>} : memref<6x256xf32, #tpu.memory_space<vmem>>, vector<1x16xf32>,
        %get3A_920 = vector.shape_cast %get3A_919 : vector<1x16xf32> to vector<16xf32>
        %get3A_921 = arith.constant 1 : i32
        %get3A_922 = arith.index_cast %get3A_921 : i32 to index
        %get3A_923 = arith.constant 192 : index
        %get3A_924 = tpu.vector_load %arg5[%get3A_922, %get3A_923] {strides = array<i32>} : memref<6x256xf32, #tpu.memory_space<vmem>>, vector<1x16xf32>,
        %get3A_925 = vector.shape_cast %get3A_924 : vector<1x16xf32> to vector<16xf32>
        %get3A_926 = arith.constant 2 : i32
        %get3A_927 = arith.index_cast %get3A_926 : i32 to index
        %get3A_928 = arith.constant 192 : index
        %get3A_929 = tpu.vector_load %arg5[%get3A_927, %get3A_928] {strides = array<i32>} : memref<6x256xf32, #tpu.memory_space<vmem>>, vector<1x16xf32>,
        %get3A_930 = vector.shape_cast %get3A_929 : vector<1x16xf32> to vector<16xf32>
        %get3A_931 = arith.constant 3 : i32
        %get3A_932 = arith.index_cast %get3A_931 : i32 to index
        %get3A_933 = arith.constant 192 : index
        %get3A_934 = tpu.vector_load %arg5[%get3A_932, %get3A_933] {strides = array<i32>} : memref<6x256xf32, #tpu.memory_space<vmem>>, vector<1x16xf32>,
        %get3A_935 = vector.shape_cast %get3A_934 : vector<1x16xf32> to vector<16xf32>
        %get3A_936 = arith.constant 4 : i32
        %get3A_937 = arith.index_cast %get3A_936 : i32 to index
        %get3A_938 = arith.constant 192 : index
        %get3A_939 = tpu.vector_load %arg5[%get3A_937, %get3A_938] {strides = array<i32>} : memref<6x256xf32, #tpu.memory_space<vmem>>, vector<1x16xf32>,
        %get3A_940 = vector.shape_cast %get3A_939 : vector<1x16xf32> to vector<16xf32>
        %get3A_941 = arith.constant 5 : i32
        %get3A_942 = arith.index_cast %get3A_941 : i32 to index
        %get3A_943 = arith.constant 192 : index
        %get3A_944 = tpu.vector_load %arg5[%get3A_942, %get3A_943] {strides = array<i32>} : memref<6x256xf32, #tpu.memory_space<vmem>>, vector<1x16xf32>,
        %get3A_945 = vector.shape_cast %get3A_944 : vector<1x16xf32> to vector<16xf32>
        %sub3A_946 = arith.subf %get3A_915, %get3A_920 : vector<16xf32>
        %mul3A_947 = arith.mulf %sub3A_946, %get3A_925 : vector<16xf32>
        %max3A_948 = arith.constant 0.000000e+00 : f32
        %max3A_949 = vector.broadcast %max3A_948 : f32 to vector<16xf32>
        %max3A_950 = arith.maximumf %mul3A_947, %max3A_949 : vector<16xf32>
        %min3A_951 = arith.constant 3.000000e+01 : f32
        %min3A_952 = vector.broadcast %min3A_951 : f32 to vector<16xf32>
        %min3A_953 = arith.minimumf %max3A_950, %min3A_952 : vector<16xf32>
        %convert_element_type3A_954 = arith.fptosi %min3A_953 : vector<16xf32> to vector<16xi32>
        %convert_element_type3A_955 = arith.sitofp %convert_element_type3A_954 : vector<16xi32> to vector<16xf32>
        %sub3A_956 = arith.subf %mul3A_947, %convert_element_type3A_955 : vector<16xf32>
        %max3A_957 = arith.constant 0.000000e+00 : f32
        %max3A_958 = vector.broadcast %max3A_957 : f32 to vector<16xf32>
        %max3A_959 = arith.maximumf %sub3A_956, %max3A_958 : vector<16xf32>
        %min3A_960 = arith.constant 1.000000e+00 : f32
        %min3A_961 = vector.broadcast %min3A_960 : f32 to vector<16xf32>
        %min3A_962 = arith.minimumf %max3A_959, %min3A_961 : vector<16xf32>
        %mul3A_963 = arith.mulf %min3A_962, %min3A_962 : vector<16xf32>
        %sub3A_964 = arith.constant 1.000000e+00 : f32
        %sub3A_965 = vector.broadcast %sub3A_964 : f32 to vector<16xf32>
        %sub3A_966 = arith.subf %sub3A_965, %min3A_962 : vector<16xf32>
        %mul3A_967 = arith.mulf %min3A_962, %sub3A_966 : vector<16xf32>
        %add3A_968 = arith.addf %mul3A_963, %mul3A_967 : vector<16xf32>
        %mul3A_969 = arith.mulf %convert_element_type3A_955, %get3A_930 : vector<16xf32>
        %add3A_970 = arith.addf %get3A_935, %mul3A_969 : vector<16xf32>
        %mul3A_971 = arith.mulf %get3A_930, %add3A_968 : vector<16xf32>
        %add3A_972 = arith.addf %add3A_970, %mul3A_971 : vector<16xf32>
        %sub3A_973 = arith.subf %get3A_915, %get3A_920 : vector<16xf32>
        %add3A_974 = arith.addf %get3A_935, %sub3A_973 : vector<16xf32>
        %sub3A_975 = arith.subf %get3A_915, %get3A_940 : vector<16xf32>
        %add3A_976 = arith.addf %get3A_945, %sub3A_975 : vector<16xf32>
        %le3A_977 = arith.cmpf ole, %get3A_915, %get3A_920 : vector<16xf32>
        %gt3A_978 = arith.cmpf ogt, %get3A_915, %get3A_940 : vector<16xf32>
        %select_n3A_979 = arith.select %gt3A_978, %add3A_976, %add3A_972 : vector<16xi1>, vector<16xf32>
        %select_n3A_980 = arith.select %le3A_977, %add3A_974, %select_n3A_979 : vector<16xi1>, vector<16xf32>
        %swap3A_981 = arith.index_cast %scan3A_32 : i32 to index
        %swap3A_982 = arith.constant 192 : index
        %swap3A_983 = tpu.vector_load %arg7[%swap3A_981, %swap3A_982] {strides = array<i32>} : memref<64x256xf32, #tpu.memory_space<vmem>>, vector<1x16xf32>,
        %swap3A_984 = vector.shape_cast %swap3A_983 : vector<1x16xf32> to vector<16xf32>
        %swap3A_985 = vector.shape_cast %select_n3A_980 : vector<16xf32> to vector<1x16xf32>
        tpu.vector_store %arg7[%swap3A_981, %swap3A_982], %swap3A_985 {strides = array<i32>} : memref<64x256xf32, #tpu.memory_space<vmem>>, vector<1x16xf32>,
        %get3A_986 = arith.index_cast %scan3A_32 : i32 to index
        %get3A_987 = arith.constant 208 : index
        %get3A_988 = tpu.vector_load %arg6[%get3A_986, %get3A_987] {strides = array<i32>} : memref<64x256xf32, #tpu.memory_space<vmem>>, vector<1x16xf32>,
        %get3A_989 = vector.shape_cast %get3A_988 : vector<1x16xf32> to vector<16xf32>
        %get3A_990 = arith.constant 0 : i32
        %get3A_991 = arith.index_cast %get3A_990 : i32 to index
        %get3A_992 = arith.constant 208 : index
        %get3A_993 = tpu.vector_load %arg5[%get3A_991, %get3A_992] {strides = array<i32>} : memref<6x256xf32, #tpu.memory_space<vmem>>, vector<1x16xf32>,
        %get3A_994 = vector.shape_cast %get3A_993 : vector<1x16xf32> to vector<16xf32>
        %get3A_995 = arith.constant 1 : i32
        %get3A_996 = arith.index_cast %get3A_995 : i32 to index
        %get3A_997 = arith.constant 208 : index
        %get3A_998 = tpu.vector_load %arg5[%get3A_996, %get3A_997] {strides = array<i32>} : memref<6x256xf32, #tpu.memory_space<vmem>>, vector<1x16xf32>,
        %get3A_999 = vector.shape_cast %get3A_998 : vector<1x16xf32> to vector<16xf32>
        %get3A_1000 = arith.constant 2 : i32
        %get3A_1001 = arith.index_cast %get3A_1000 : i32 to index
        %get3A_1002 = arith.constant 208 : index
        %get3A_1003 = tpu.vector_load %arg5[%get3A_1001, %get3A_1002] {strides = array<i32>} : memref<6x256xf32, #tpu.memory_space<vmem>>, vector<1x16xf32>,
        %get3A_1004 = vector.shape_cast %get3A_1003 : vector<1x16xf32> to vector<16xf32>
        %get3A_1005 = arith.constant 3 : i32
        %get3A_1006 = arith.index_cast %get3A_1005 : i32 to index
        %get3A_1007 = arith.constant 208 : index
        %get3A_1008 = tpu.vector_load %arg5[%get3A_1006, %get3A_1007] {strides = array<i32>} : memref<6x256xf32, #tpu.memory_space<vmem>>, vector<1x16xf32>,
        %get3A_1009 = vector.shape_cast %get3A_1008 : vector<1x16xf32> to vector<16xf32>
        %get3A_1010 = arith.constant 4 : i32
        %get3A_1011 = arith.index_cast %get3A_1010 : i32 to index
        %get3A_1012 = arith.constant 208 : index
        %get3A_1013 = tpu.vector_load %arg5[%get3A_1011, %get3A_1012] {strides = array<i32>} : memref<6x256xf32, #tpu.memory_space<vmem>>, vector<1x16xf32>,
        %get3A_1014 = vector.shape_cast %get3A_1013 : vector<1x16xf32> to vector<16xf32>
        %get3A_1015 = arith.constant 5 : i32
        %get3A_1016 = arith.index_cast %get3A_1015 : i32 to index
        %get3A_1017 = arith.constant 208 : index
        %get3A_1018 = tpu.vector_load %arg5[%get3A_1016, %get3A_1017] {strides = array<i32>} : memref<6x256xf32, #tpu.memory_space<vmem>>, vector<1x16xf32>,
        %get3A_1019 = vector.shape_cast %get3A_1018 : vector<1x16xf32> to vector<16xf32>
        %sub3A_1020 = arith.subf %get3A_989, %get3A_994 : vector<16xf32>
        %mul3A_1021 = arith.mulf %sub3A_1020, %get3A_999 : vector<16xf32>
        %max3A_1022 = arith.constant 0.000000e+00 : f32
        %max3A_1023 = vector.broadcast %max3A_1022 : f32 to vector<16xf32>
        %max3A_1024 = arith.maximumf %mul3A_1021, %max3A_1023 : vector<16xf32>
        %min3A_1025 = arith.constant 3.000000e+01 : f32
        %min3A_1026 = vector.broadcast %min3A_1025 : f32 to vector<16xf32>
        %min3A_1027 = arith.minimumf %max3A_1024, %min3A_1026 : vector<16xf32>
        %convert_element_type3A_1028 = arith.fptosi %min3A_1027 : vector<16xf32> to vector<16xi32>
        %convert_element_type3A_1029 = arith.sitofp %convert_element_type3A_1028 : vector<16xi32> to vector<16xf32>
        %sub3A_1030 = arith.subf %mul3A_1021, %convert_element_type3A_1029 : vector<16xf32>
        %max3A_1031 = arith.constant 0.000000e+00 : f32
        %max3A_1032 = vector.broadcast %max3A_1031 : f32 to vector<16xf32>
        %max3A_1033 = arith.maximumf %sub3A_1030, %max3A_1032 : vector<16xf32>
        %min3A_1034 = arith.constant 1.000000e+00 : f32
        %min3A_1035 = vector.broadcast %min3A_1034 : f32 to vector<16xf32>
        %min3A_1036 = arith.minimumf %max3A_1033, %min3A_1035 : vector<16xf32>
        %mul3A_1037 = arith.mulf %min3A_1036, %min3A_1036 : vector<16xf32>
        %sub3A_1038 = arith.constant 1.000000e+00 : f32
        %sub3A_1039 = vector.broadcast %sub3A_1038 : f32 to vector<16xf32>
        %sub3A_1040 = arith.subf %sub3A_1039, %min3A_1036 : vector<16xf32>
        %mul3A_1041 = arith.mulf %min3A_1036, %sub3A_1040 : vector<16xf32>
        %add3A_1042 = arith.addf %mul3A_1037, %mul3A_1041 : vector<16xf32>
        %mul3A_1043 = arith.mulf %convert_element_type3A_1029, %get3A_1004 : vector<16xf32>
        %add3A_1044 = arith.addf %get3A_1009, %mul3A_1043 : vector<16xf32>
        %mul3A_1045 = arith.mulf %get3A_1004, %add3A_1042 : vector<16xf32>
        %add3A_1046 = arith.addf %add3A_1044, %mul3A_1045 : vector<16xf32>
        %sub3A_1047 = arith.subf %get3A_989, %get3A_994 : vector<16xf32>
        %add3A_1048 = arith.addf %get3A_1009, %sub3A_1047 : vector<16xf32>
        %sub3A_1049 = arith.subf %get3A_989, %get3A_1014 : vector<16xf32>
        %add3A_1050 = arith.addf %get3A_1019, %sub3A_1049 : vector<16xf32>
        %le3A_1051 = arith.cmpf ole, %get3A_989, %get3A_994 : vector<16xf32>
        %gt3A_1052 = arith.cmpf ogt, %get3A_989, %get3A_1014 : vector<16xf32>
        %select_n3A_1053 = arith.select %gt3A_1052, %add3A_1050, %add3A_1046 : vector<16xi1>, vector<16xf32>
        %select_n3A_1054 = arith.select %le3A_1051, %add3A_1048, %select_n3A_1053 : vector<16xi1>, vector<16xf32>
        %swap3A_1055 = arith.index_cast %scan3A_32 : i32 to index
        %swap3A_1056 = arith.constant 208 : index
        %swap3A_1057 = tpu.vector_load %arg7[%swap3A_1055, %swap3A_1056] {strides = array<i32>} : memref<64x256xf32, #tpu.memory_space<vmem>>, vector<1x16xf32>,
        %swap3A_1058 = vector.shape_cast %swap3A_1057 : vector<1x16xf32> to vector<16xf32>
        %swap3A_1059 = vector.shape_cast %select_n3A_1054 : vector<16xf32> to vector<1x16xf32>
        tpu.vector_store %arg7[%swap3A_1055, %swap3A_1056], %swap3A_1059 {strides = array<i32>} : memref<64x256xf32, #tpu.memory_space<vmem>>, vector<1x16xf32>,
        %get3A_1060 = arith.index_cast %scan3A_32 : i32 to index
        %get3A_1061 = arith.constant 224 : index
        %get3A_1062 = tpu.vector_load %arg6[%get3A_1060, %get3A_1061] {strides = array<i32>} : memref<64x256xf32, #tpu.memory_space<vmem>>, vector<1x16xf32>,
        %get3A_1063 = vector.shape_cast %get3A_1062 : vector<1x16xf32> to vector<16xf32>
        %get3A_1064 = arith.constant 0 : i32
        %get3A_1065 = arith.index_cast %get3A_1064 : i32 to index
        %get3A_1066 = arith.constant 224 : index
        %get3A_1067 = tpu.vector_load %arg5[%get3A_1065, %get3A_1066] {strides = array<i32>} : memref<6x256xf32, #tpu.memory_space<vmem>>, vector<1x16xf32>,
        %get3A_1068 = vector.shape_cast %get3A_1067 : vector<1x16xf32> to vector<16xf32>
        %get3A_1069 = arith.constant 1 : i32
        %get3A_1070 = arith.index_cast %get3A_1069 : i32 to index
        %get3A_1071 = arith.constant 224 : index
        %get3A_1072 = tpu.vector_load %arg5[%get3A_1070, %get3A_1071] {strides = array<i32>} : memref<6x256xf32, #tpu.memory_space<vmem>>, vector<1x16xf32>,
        %get3A_1073 = vector.shape_cast %get3A_1072 : vector<1x16xf32> to vector<16xf32>
        %get3A_1074 = arith.constant 2 : i32
        %get3A_1075 = arith.index_cast %get3A_1074 : i32 to index
        %get3A_1076 = arith.constant 224 : index
        %get3A_1077 = tpu.vector_load %arg5[%get3A_1075, %get3A_1076] {strides = array<i32>} : memref<6x256xf32, #tpu.memory_space<vmem>>, vector<1x16xf32>,
        %get3A_1078 = vector.shape_cast %get3A_1077 : vector<1x16xf32> to vector<16xf32>
        %get3A_1079 = arith.constant 3 : i32
        %get3A_1080 = arith.index_cast %get3A_1079 : i32 to index
        %get3A_1081 = arith.constant 224 : index
        %get3A_1082 = tpu.vector_load %arg5[%get3A_1080, %get3A_1081] {strides = array<i32>} : memref<6x256xf32, #tpu.memory_space<vmem>>, vector<1x16xf32>,
        %get3A_1083 = vector.shape_cast %get3A_1082 : vector<1x16xf32> to vector<16xf32>
        %get3A_1084 = arith.constant 4 : i32
        %get3A_1085 = arith.index_cast %get3A_1084 : i32 to index
        %get3A_1086 = arith.constant 224 : index
        %get3A_1087 = tpu.vector_load %arg5[%get3A_1085, %get3A_1086] {strides = array<i32>} : memref<6x256xf32, #tpu.memory_space<vmem>>, vector<1x16xf32>,
        %get3A_1088 = vector.shape_cast %get3A_1087 : vector<1x16xf32> to vector<16xf32>
        %get3A_1089 = arith.constant 5 : i32
        %get3A_1090 = arith.index_cast %get3A_1089 : i32 to index
        %get3A_1091 = arith.constant 224 : index
        %get3A_1092 = tpu.vector_load %arg5[%get3A_1090, %get3A_1091] {strides = array<i32>} : memref<6x256xf32, #tpu.memory_space<vmem>>, vector<1x16xf32>,
        %get3A_1093 = vector.shape_cast %get3A_1092 : vector<1x16xf32> to vector<16xf32>
        %sub3A_1094 = arith.subf %get3A_1063, %get3A_1068 : vector<16xf32>
        %mul3A_1095 = arith.mulf %sub3A_1094, %get3A_1073 : vector<16xf32>
        %max3A_1096 = arith.constant 0.000000e+00 : f32
        %max3A_1097 = vector.broadcast %max3A_1096 : f32 to vector<16xf32>
        %max3A_1098 = arith.maximumf %mul3A_1095, %max3A_1097 : vector<16xf32>
        %min3A_1099 = arith.constant 3.000000e+01 : f32
        %min3A_1100 = vector.broadcast %min3A_1099 : f32 to vector<16xf32>
        %min3A_1101 = arith.minimumf %max3A_1098, %min3A_1100 : vector<16xf32>
        %convert_element_type3A_1102 = arith.fptosi %min3A_1101 : vector<16xf32> to vector<16xi32>
        %convert_element_type3A_1103 = arith.sitofp %convert_element_type3A_1102 : vector<16xi32> to vector<16xf32>
        %sub3A_1104 = arith.subf %mul3A_1095, %convert_element_type3A_1103 : vector<16xf32>
        %max3A_1105 = arith.constant 0.000000e+00 : f32
        %max3A_1106 = vector.broadcast %max3A_1105 : f32 to vector<16xf32>
        %max3A_1107 = arith.maximumf %sub3A_1104, %max3A_1106 : vector<16xf32>
        %min3A_1108 = arith.constant 1.000000e+00 : f32
        %min3A_1109 = vector.broadcast %min3A_1108 : f32 to vector<16xf32>
        %min3A_1110 = arith.minimumf %max3A_1107, %min3A_1109 : vector<16xf32>
        %mul3A_1111 = arith.mulf %min3A_1110, %min3A_1110 : vector<16xf32>
        %sub3A_1112 = arith.constant 1.000000e+00 : f32
        %sub3A_1113 = vector.broadcast %sub3A_1112 : f32 to vector<16xf32>
        %sub3A_1114 = arith.subf %sub3A_1113, %min3A_1110 : vector<16xf32>
        %mul3A_1115 = arith.mulf %min3A_1110, %sub3A_1114 : vector<16xf32>
        %add3A_1116 = arith.addf %mul3A_1111, %mul3A_1115 : vector<16xf32>
        %mul3A_1117 = arith.mulf %convert_element_type3A_1103, %get3A_1078 : vector<16xf32>
        %add3A_1118 = arith.addf %get3A_1083, %mul3A_1117 : vector<16xf32>
        %mul3A_1119 = arith.mulf %get3A_1078, %add3A_1116 : vector<16xf32>
        %add3A_1120 = arith.addf %add3A_1118, %mul3A_1119 : vector<16xf32>
        %sub3A_1121 = arith.subf %get3A_1063, %get3A_1068 : vector<16xf32>
        %add3A_1122 = arith.addf %get3A_1083, %sub3A_1121 : vector<16xf32>
        %sub3A_1123 = arith.subf %get3A_1063, %get3A_1088 : vector<16xf32>
        %add3A_1124 = arith.addf %get3A_1093, %sub3A_1123 : vector<16xf32>
        %le3A_1125 = arith.cmpf ole, %get3A_1063, %get3A_1068 : vector<16xf32>
        %gt3A_1126 = arith.cmpf ogt, %get3A_1063, %get3A_1088 : vector<16xf32>
        %select_n3A_1127 = arith.select %gt3A_1126, %add3A_1124, %add3A_1120 : vector<16xi1>, vector<16xf32>
        %select_n3A_1128 = arith.select %le3A_1125, %add3A_1122, %select_n3A_1127 : vector<16xi1>, vector<16xf32>
        %swap3A_1129 = arith.index_cast %scan3A_32 : i32 to index
        %swap3A_1130 = arith.constant 224 : index
        %swap3A_1131 = tpu.vector_load %arg7[%swap3A_1129, %swap3A_1130] {strides = array<i32>} : memref<64x256xf32, #tpu.memory_space<vmem>>, vector<1x16xf32>,
        %swap3A_1132 = vector.shape_cast %swap3A_1131 : vector<1x16xf32> to vector<16xf32>
        %swap3A_1133 = vector.shape_cast %select_n3A_1128 : vector<16xf32> to vector<1x16xf32>
        tpu.vector_store %arg7[%swap3A_1129, %swap3A_1130], %swap3A_1133 {strides = array<i32>} : memref<64x256xf32, #tpu.memory_space<vmem>>, vector<1x16xf32>,
        %get3A_1134 = arith.index_cast %scan3A_32 : i32 to index
        %get3A_1135 = arith.constant 240 : index
        %get3A_1136 = tpu.vector_load %arg6[%get3A_1134, %get3A_1135] {strides = array<i32>} : memref<64x256xf32, #tpu.memory_space<vmem>>, vector<1x16xf32>,
        %get3A_1137 = vector.shape_cast %get3A_1136 : vector<1x16xf32> to vector<16xf32>
        %get3A_1138 = arith.constant 0 : i32
        %get3A_1139 = arith.index_cast %get3A_1138 : i32 to index
        %get3A_1140 = arith.constant 240 : index
        %get3A_1141 = tpu.vector_load %arg5[%get3A_1139, %get3A_1140] {strides = array<i32>} : memref<6x256xf32, #tpu.memory_space<vmem>>, vector<1x16xf32>,
        %get3A_1142 = vector.shape_cast %get3A_1141 : vector<1x16xf32> to vector<16xf32>
        %get3A_1143 = arith.constant 1 : i32
        %get3A_1144 = arith.index_cast %get3A_1143 : i32 to index
        %get3A_1145 = arith.constant 240 : index
        %get3A_1146 = tpu.vector_load %arg5[%get3A_1144, %get3A_1145] {strides = array<i32>} : memref<6x256xf32, #tpu.memory_space<vmem>>, vector<1x16xf32>,
        %get3A_1147 = vector.shape_cast %get3A_1146 : vector<1x16xf32> to vector<16xf32>
        %get3A_1148 = arith.constant 2 : i32
        %get3A_1149 = arith.index_cast %get3A_1148 : i32 to index
        %get3A_1150 = arith.constant 240 : index
        %get3A_1151 = tpu.vector_load %arg5[%get3A_1149, %get3A_1150] {strides = array<i32>} : memref<6x256xf32, #tpu.memory_space<vmem>>, vector<1x16xf32>,
        %get3A_1152 = vector.shape_cast %get3A_1151 : vector<1x16xf32> to vector<16xf32>
        %get3A_1153 = arith.constant 3 : i32
        %get3A_1154 = arith.index_cast %get3A_1153 : i32 to index
        %get3A_1155 = arith.constant 240 : index
        %get3A_1156 = tpu.vector_load %arg5[%get3A_1154, %get3A_1155] {strides = array<i32>} : memref<6x256xf32, #tpu.memory_space<vmem>>, vector<1x16xf32>,
        %get3A_1157 = vector.shape_cast %get3A_1156 : vector<1x16xf32> to vector<16xf32>
        %get3A_1158 = arith.constant 4 : i32
        %get3A_1159 = arith.index_cast %get3A_1158 : i32 to index
        %get3A_1160 = arith.constant 240 : index
        %get3A_1161 = tpu.vector_load %arg5[%get3A_1159, %get3A_1160] {strides = array<i32>} : memref<6x256xf32, #tpu.memory_space<vmem>>, vector<1x16xf32>,
        %get3A_1162 = vector.shape_cast %get3A_1161 : vector<1x16xf32> to vector<16xf32>
        %get3A_1163 = arith.constant 5 : i32
        %get3A_1164 = arith.index_cast %get3A_1163 : i32 to index
        %get3A_1165 = arith.constant 240 : index
        %get3A_1166 = tpu.vector_load %arg5[%get3A_1164, %get3A_1165] {strides = array<i32>} : memref<6x256xf32, #tpu.memory_space<vmem>>, vector<1x16xf32>,
        %get3A_1167 = vector.shape_cast %get3A_1166 : vector<1x16xf32> to vector<16xf32>
        %sub3A_1168 = arith.subf %get3A_1137, %get3A_1142 : vector<16xf32>
        %mul3A_1169 = arith.mulf %sub3A_1168, %get3A_1147 : vector<16xf32>
        %max3A_1170 = arith.constant 0.000000e+00 : f32
        %max3A_1171 = vector.broadcast %max3A_1170 : f32 to vector<16xf32>
        %max3A_1172 = arith.maximumf %mul3A_1169, %max3A_1171 : vector<16xf32>
        %min3A_1173 = arith.constant 3.000000e+01 : f32
        %min3A_1174 = vector.broadcast %min3A_1173 : f32 to vector<16xf32>
        %min3A_1175 = arith.minimumf %max3A_1172, %min3A_1174 : vector<16xf32>
        %convert_element_type3A_1176 = arith.fptosi %min3A_1175 : vector<16xf32> to vector<16xi32>
        %convert_element_type3A_1177 = arith.sitofp %convert_element_type3A_1176 : vector<16xi32> to vector<16xf32>
        %sub3A_1178 = arith.subf %mul3A_1169, %convert_element_type3A_1177 : vector<16xf32>
        %max3A_1179 = arith.constant 0.000000e+00 : f32
        %max3A_1180 = vector.broadcast %max3A_1179 : f32 to vector<16xf32>
        %max3A_1181 = arith.maximumf %sub3A_1178, %max3A_1180 : vector<16xf32>
        %min3A_1182 = arith.constant 1.000000e+00 : f32
        %min3A_1183 = vector.broadcast %min3A_1182 : f32 to vector<16xf32>
        %min3A_1184 = arith.minimumf %max3A_1181, %min3A_1183 : vector<16xf32>
        %mul3A_1185 = arith.mulf %min3A_1184, %min3A_1184 : vector<16xf32>
        %sub3A_1186 = arith.constant 1.000000e+00 : f32
        %sub3A_1187 = vector.broadcast %sub3A_1186 : f32 to vector<16xf32>
        %sub3A_1188 = arith.subf %sub3A_1187, %min3A_1184 : vector<16xf32>
        %mul3A_1189 = arith.mulf %min3A_1184, %sub3A_1188 : vector<16xf32>
        %add3A_1190 = arith.addf %mul3A_1185, %mul3A_1189 : vector<16xf32>
        %mul3A_1191 = arith.mulf %convert_element_type3A_1177, %get3A_1152 : vector<16xf32>
        %add3A_1192 = arith.addf %get3A_1157, %mul3A_1191 : vector<16xf32>
        %mul3A_1193 = arith.mulf %get3A_1152, %add3A_1190 : vector<16xf32>
        %add3A_1194 = arith.addf %add3A_1192, %mul3A_1193 : vector<16xf32>
        %sub3A_1195 = arith.subf %get3A_1137, %get3A_1142 : vector<16xf32>
        %add3A_1196 = arith.addf %get3A_1157, %sub3A_1195 : vector<16xf32>
        %sub3A_1197 = arith.subf %get3A_1137, %get3A_1162 : vector<16xf32>
        %add3A_1198 = arith.addf %get3A_1167, %sub3A_1197 : vector<16xf32>
        %le3A_1199 = arith.cmpf ole, %get3A_1137, %get3A_1142 : vector<16xf32>
        %gt3A_1200 = arith.cmpf ogt, %get3A_1137, %get3A_1162 : vector<16xf32>
        %select_n3A_1201 = arith.select %gt3A_1200, %add3A_1198, %add3A_1194 : vector<16xi1>, vector<16xf32>
        %select_n3A_1202 = arith.select %le3A_1199, %add3A_1196, %select_n3A_1201 : vector<16xi1>, vector<16xf32>
        %swap3A_1203 = arith.index_cast %scan3A_32 : i32 to index
        %swap3A_1204 = arith.constant 240 : index
        %swap3A_1205 = tpu.vector_load %arg7[%swap3A_1203, %swap3A_1204] {strides = array<i32>} : memref<64x256xf32, #tpu.memory_space<vmem>>, vector<1x16xf32>,
        %swap3A_1206 = vector.shape_cast %swap3A_1205 : vector<1x16xf32> to vector<16xf32>
        %swap3A_1207 = vector.shape_cast %select_n3A_1202 : vector<16xf32> to vector<1x16xf32>
        tpu.vector_store %arg7[%swap3A_1203, %swap3A_1204], %swap3A_1207 {strides = array<i32>} : memref<64x256xf32, #tpu.memory_space<vmem>>, vector<1x16xf32>,
      }
      %scan3A_23 = arith.constant 64 : i32
      %dma_start3A_24 = arith.constant 0 : i32
      %dma_start3A_25 = tpu.memref_slice %arg4[%add3A_11, %dma_start3A_24] : memref<131072x256xf32, #tpu.memory_space<hbm>> -> memref<64x256xf32, #tpu.memory_space<hbm>>
      %dma_start3A_26 = arith.constant 0 : i32
      %dma_start3A_27 = tpu.memref_slice %arg4[%add3A_11, %dma_start3A_26] : memref<131072x256xf32, #tpu.memory_space<hbm>> -> memref<64x256xf32, #tpu.memory_space<hbm>>
      tpu.enqueue_dma source(%arg7 : memref<64x256xf32, #tpu.memory_space<vmem>>) target(%dma_start3A_27 : memref<64x256xf32, #tpu.memory_space<hbm>>) target_semaphore(%arg9 : memref<!tpu.dma_semaphore, #tpu.memory_space<semaphore_mem>>)
      %dma_wait3A_28 = arith.constant 0 : i32
      %dma_wait3A_29 = tpu.memref_slice %arg4[%add3A_11, %dma_wait3A_28] : memref<131072x256xf32, #tpu.memory_space<hbm>> -> memref<64x256xf32, #tpu.memory_space<hbm>>
      %dma_wait3A_30 = arith.constant 0 : i32
      %dma_wait3A_31 = tpu.memref_slice %arg4[%add3A_11, %dma_wait3A_30] : memref<131072x256xf32, #tpu.memory_space<hbm>> -> memref<64x256xf32, #tpu.memory_space<hbm>>
      tpu.wait_dma2 semaphore(%arg9 : memref<!tpu.dma_semaphore, #tpu.memory_space<semaphore_mem>>) src(%arg7 : memref<64x256xf32, #tpu.memory_space<vmem>>) dst(%dma_wait3A_31 : memref<64x256xf32, #tpu.memory_space<hbm>>)
    }
    %scan3A_7 = arith.constant 32 : i32
    return
  }
}

module attributes {stable_mosaic.version = 14 : i64} {
  func.func @_tc_full_block(%arg0: i32, %arg1: memref<2048x256xf32, #tpu.memory_space<vmem>>, %arg2: memref<32x256xf32, #tpu.memory_space<vmem>>, %arg3: memref<32x256xf32, #tpu.memory_space<vmem>>, %arg4: memref<1x256xf32, #tpu.memory_space<vmem>>, %arg5: memref<2x256xf32, #tpu.memory_space<vmem>>, %arg6: memref<3x256xf32, #tpu.memory_space<vmem>>, %arg7: memref<131072x256xf32, #tpu.memory_space<any>>, %arg8: memref<131072x256xf32, #tpu.memory_space<any>>, %arg9: memref<2048x256xf32, #tpu.memory_space<vmem>>, %arg10: memref<2048x256xf32, #tpu.memory_space<vmem>>) attributes {dimension_semantics = [#tpu.dimension_semantics<arbitrary>], iteration_bounds = array<i64: 32>, scalar_prefetch = 0 : i64, scratch_operands = 0 : i64, tpu.core_type = #tpu.core_type<tc>, window_params = [{transform_indices = @transform_0, window_bounds = array<i64: 2048, 256>}, {pipeline_mode = #tpu.pipeline_mode<synchronous>, transform_indices = @transform_1, window_bounds = array<i64: 32, 256>}, {pipeline_mode = #tpu.pipeline_mode<synchronous>, transform_indices = @transform_2, window_bounds = array<i64: 32, 256>}, {pipeline_mode = #tpu.pipeline_mode<synchronous>, transform_indices = @transform_3, window_bounds = array<i64: 1, 256>}, {pipeline_mode = #tpu.pipeline_mode<synchronous>, transform_indices = @transform_4, window_bounds = array<i64: 2, 256>}, {pipeline_mode = #tpu.pipeline_mode<synchronous>, transform_indices = @transform_5, window_bounds = array<i64: 3, 256>}, {}, {}, {transform_indices = @transform_8, window_bounds = array<i64: 2048, 256>}, {transform_indices = @transform_9, window_bounds = array<i64: 2048, 256>}]} {
    %get3A = arith.constant 0 : index
    %get3A_0 = arith.constant 0 : index
    %get3A_1 = vector.load %arg1[%get3A, %get3A_0] : memref<2048x256xf32, #tpu.memory_space<vmem>>, vector<2048x256xf32>
    %get3A_2 = arith.constant 0 : index
    %get3A_3 = arith.constant 0 : index
    %get3A_4 = vector.load %arg2[%get3A_2, %get3A_3] : memref<32x256xf32, #tpu.memory_space<vmem>>, vector<1x256xf32>
    %get3A_5 = vector.shape_cast %get3A_4 : vector<1x256xf32> to vector<256xf32>
    %get3A_6 = arith.constant 30 : index
    %get3A_7 = arith.constant 0 : index
    %get3A_8 = vector.load %arg3[%get3A_6, %get3A_7] : memref<32x256xf32, #tpu.memory_space<vmem>>, vector<1x256xf32>
    %get3A_9 = vector.shape_cast %get3A_8 : vector<1x256xf32> to vector<256xf32>
    %get3A_10 = arith.constant 0 : index
    %get3A_11 = arith.constant 0 : index
    %get3A_12 = vector.load %arg4[%get3A_10, %get3A_11] : memref<1x256xf32, #tpu.memory_space<vmem>>, vector<1x256xf32>
    %get3A_13 = vector.shape_cast %get3A_12 : vector<1x256xf32> to vector<256xf32>
    %broadcast_in_dim3A = vector.shape_cast %get3A_5 : vector<256xf32> to vector<1x256xf32>
    %sub3A = vector.broadcast %broadcast_in_dim3A : vector<1x256xf32> to vector<2048x256xf32>
    %sub3A_14 = arith.subf %get3A_1, %sub3A : vector<2048x256xf32>
    %broadcast_in_dim3A_15 = vector.shape_cast %get3A_13 : vector<256xf32> to vector<1x256xf32>
    %mul3A = vector.broadcast %broadcast_in_dim3A_15 : vector<1x256xf32> to vector<2048x256xf32>
    %mul3A_16 = arith.mulf %sub3A_14, %mul3A : vector<2048x256xf32>
    %convert_element_type3A = arith.fptosi %mul3A_16 : vector<2048x256xf32> to vector<2048x256xi32>
    %jit3A = arith.constant 0 : i32
    %jit3A_17 = arith.constant 30 : i32
    %max3A = vector.broadcast %jit3A : i32 to vector<2048x256xi32>
    %max3A_18 = arith.maxsi %max3A, %convert_element_type3A : vector<2048x256xi32>
    %min3A = vector.broadcast %jit3A_17 : i32 to vector<2048x256xi32>
    %min3A_19 = arith.minsi %min3A, %max3A_18 : vector<2048x256xi32>
    %and3A = arith.constant 7 : i32
    %and3A_20 = vector.broadcast %and3A : i32 to vector<2048x256xi32>
    %and3A_21 = arith.andi %min3A_19, %and3A_20 : vector<2048x256xi32>
    %shift_right_arithmetic3A = arith.constant 3 : i32
    %shift_right_arithmetic3A_22 = vector.broadcast %shift_right_arithmetic3A : i32 to vector<2048x256xi32>
    %shift_right_arithmetic3A_23 = arith.shrsi %min3A_19, %shift_right_arithmetic3A_22 : vector<2048x256xi32>
    %eq3A = arith.constant 1 : i32
    %eq3A_24 = vector.broadcast %eq3A : i32 to vector<2048x256xi32>
    %eq3A_25 = arith.cmpi eq, %shift_right_arithmetic3A_23, %eq3A_24 : vector<2048x256xi32>
    %eq3A_26 = arith.constant 2 : i32
    %eq3A_27 = vector.broadcast %eq3A_26 : i32 to vector<2048x256xi32>
    %eq3A_28 = arith.cmpi eq, %shift_right_arithmetic3A_23, %eq3A_27 : vector<2048x256xi32>
    %eq3A_29 = arith.constant 3 : i32
    %eq3A_30 = vector.broadcast %eq3A_29 : i32 to vector<2048x256xi32>
    %eq3A_31 = arith.cmpi eq, %shift_right_arithmetic3A_23, %eq3A_30 : vector<2048x256xi32>
    %get3A_32 = arith.constant 0 : index
    %get3A_33 = arith.constant 0 : index
    %get3A_34 = vector.load %arg2[%get3A_32, %get3A_33] : memref<32x256xf32, #tpu.memory_space<vmem>>, vector<8x256xf32>
    %lt3A = arith.constant 0 : i32
    %lt3A_35 = vector.broadcast %lt3A : i32 to vector<2048x256xi32>
    %lt3A_36 = arith.cmpi slt, %and3A_21, %lt3A_35 : vector<2048x256xi32>
    %add3A = arith.constant 8 : i32
    %add3A_37 = vector.broadcast %add3A : i32 to vector<2048x256xi32>
    %add3A_38 = arith.addi %and3A_21, %add3A_37 : vector<2048x256xi32>
    %select_n3A = arith.select %lt3A_36, %add3A_38, %and3A_21 : vector<2048x256xi1>, vector<2048x256xi32>
    %reshape3A = vector.shape_cast %select_n3A : vector<2048x256xi32> to vector<2048x256x1xi32>
    %gather3A = vector.shape_cast %reshape3A : vector<2048x256x1xi32> to vector<2048x256xi32>
    %gather3A_39 = tpu.dynamic_gather %get3A_34[%gather3A] in [0] : vector<8x256xf32>, vector<2048x256xi32> -> vector<2048x256xf32>
    %get3A_40 = arith.constant 8 : index
    %get3A_41 = arith.constant 0 : index
    %get3A_42 = vector.load %arg2[%get3A_40, %get3A_41] : memref<32x256xf32, #tpu.memory_space<vmem>>, vector<8x256xf32>
    %lt3A_43 = arith.constant 0 : i32
    %lt3A_44 = vector.broadcast %lt3A_43 : i32 to vector<2048x256xi32>
    %lt3A_45 = arith.cmpi slt, %and3A_21, %lt3A_44 : vector<2048x256xi32>
    %add3A_46 = arith.constant 8 : i32
    %add3A_47 = vector.broadcast %add3A_46 : i32 to vector<2048x256xi32>
    %add3A_48 = arith.addi %and3A_21, %add3A_47 : vector<2048x256xi32>
    %select_n3A_49 = arith.select %lt3A_45, %add3A_48, %and3A_21 : vector<2048x256xi1>, vector<2048x256xi32>
    %reshape3A_50 = vector.shape_cast %select_n3A_49 : vector<2048x256xi32> to vector<2048x256x1xi32>
    %gather3A_51 = vector.shape_cast %reshape3A_50 : vector<2048x256x1xi32> to vector<2048x256xi32>
    %gather3A_52 = tpu.dynamic_gather %get3A_42[%gather3A_51] in [0] : vector<8x256xf32>, vector<2048x256xi32> -> vector<2048x256xf32>
    %select_n3A_53 = arith.select %eq3A_25, %gather3A_52, %gather3A_39 : vector<2048x256xi1>, vector<2048x256xf32>
    %get3A_54 = arith.constant 16 : index
    %get3A_55 = arith.constant 0 : index
    %get3A_56 = vector.load %arg2[%get3A_54, %get3A_55] : memref<32x256xf32, #tpu.memory_space<vmem>>, vector<8x256xf32>
    %lt3A_57 = arith.constant 0 : i32
    %lt3A_58 = vector.broadcast %lt3A_57 : i32 to vector<2048x256xi32>
    %lt3A_59 = arith.cmpi slt, %and3A_21, %lt3A_58 : vector<2048x256xi32>
    %add3A_60 = arith.constant 8 : i32
    %add3A_61 = vector.broadcast %add3A_60 : i32 to vector<2048x256xi32>
    %add3A_62 = arith.addi %and3A_21, %add3A_61 : vector<2048x256xi32>
    %select_n3A_63 = arith.select %lt3A_59, %add3A_62, %and3A_21 : vector<2048x256xi1>, vector<2048x256xi32>
    %reshape3A_64 = vector.shape_cast %select_n3A_63 : vector<2048x256xi32> to vector<2048x256x1xi32>
    %gather3A_65 = vector.shape_cast %reshape3A_64 : vector<2048x256x1xi32> to vector<2048x256xi32>
    %gather3A_66 = tpu.dynamic_gather %get3A_56[%gather3A_65] in [0] : vector<8x256xf32>, vector<2048x256xi32> -> vector<2048x256xf32>
    %select_n3A_67 = arith.select %eq3A_28, %gather3A_66, %select_n3A_53 : vector<2048x256xi1>, vector<2048x256xf32>
    %get3A_68 = arith.constant 24 : index
    %get3A_69 = arith.constant 0 : index
    %get3A_70 = vector.load %arg2[%get3A_68, %get3A_69] : memref<32x256xf32, #tpu.memory_space<vmem>>, vector<8x256xf32>
    %lt3A_71 = arith.constant 0 : i32
    %lt3A_72 = vector.broadcast %lt3A_71 : i32 to vector<2048x256xi32>
    %lt3A_73 = arith.cmpi slt, %and3A_21, %lt3A_72 : vector<2048x256xi32>
    %add3A_74 = arith.constant 8 : i32
    %add3A_75 = vector.broadcast %add3A_74 : i32 to vector<2048x256xi32>
    %add3A_76 = arith.addi %and3A_21, %add3A_75 : vector<2048x256xi32>
    %select_n3A_77 = arith.select %lt3A_73, %add3A_76, %and3A_21 : vector<2048x256xi1>, vector<2048x256xi32>
    %reshape3A_78 = vector.shape_cast %select_n3A_77 : vector<2048x256xi32> to vector<2048x256x1xi32>
    %gather3A_79 = vector.shape_cast %reshape3A_78 : vector<2048x256x1xi32> to vector<2048x256xi32>
    %gather3A_80 = tpu.dynamic_gather %get3A_70[%gather3A_79] in [0] : vector<8x256xf32>, vector<2048x256xi32> -> vector<2048x256xf32>
    %select_n3A_81 = arith.select %eq3A_31, %gather3A_80, %select_n3A_67 : vector<2048x256xi1>, vector<2048x256xf32>
    %get3A_82 = arith.constant 0 : index
    %get3A_83 = arith.constant 0 : index
    %get3A_84 = vector.load %arg3[%get3A_82, %get3A_83] : memref<32x256xf32, #tpu.memory_space<vmem>>, vector<8x256xf32>
    %lt3A_85 = arith.constant 0 : i32
    %lt3A_86 = vector.broadcast %lt3A_85 : i32 to vector<2048x256xi32>
    %lt3A_87 = arith.cmpi slt, %and3A_21, %lt3A_86 : vector<2048x256xi32>
    %add3A_88 = arith.constant 8 : i32
    %add3A_89 = vector.broadcast %add3A_88 : i32 to vector<2048x256xi32>
    %add3A_90 = arith.addi %and3A_21, %add3A_89 : vector<2048x256xi32>
    %select_n3A_91 = arith.select %lt3A_87, %add3A_90, %and3A_21 : vector<2048x256xi1>, vector<2048x256xi32>
    %reshape3A_92 = vector.shape_cast %select_n3A_91 : vector<2048x256xi32> to vector<2048x256x1xi32>
    %gather3A_93 = vector.shape_cast %reshape3A_92 : vector<2048x256x1xi32> to vector<2048x256xi32>
    %gather3A_94 = tpu.dynamic_gather %get3A_84[%gather3A_93] in [0] : vector<8x256xf32>, vector<2048x256xi32> -> vector<2048x256xf32>
    %get3A_95 = arith.constant 8 : index
    %get3A_96 = arith.constant 0 : index
    %get3A_97 = vector.load %arg3[%get3A_95, %get3A_96] : memref<32x256xf32, #tpu.memory_space<vmem>>, vector<8x256xf32>
    %lt3A_98 = arith.constant 0 : i32
    %lt3A_99 = vector.broadcast %lt3A_98 : i32 to vector<2048x256xi32>
    %lt3A_100 = arith.cmpi slt, %and3A_21, %lt3A_99 : vector<2048x256xi32>
    %add3A_101 = arith.constant 8 : i32
    %add3A_102 = vector.broadcast %add3A_101 : i32 to vector<2048x256xi32>
    %add3A_103 = arith.addi %and3A_21, %add3A_102 : vector<2048x256xi32>
    %select_n3A_104 = arith.select %lt3A_100, %add3A_103, %and3A_21 : vector<2048x256xi1>, vector<2048x256xi32>
    %reshape3A_105 = vector.shape_cast %select_n3A_104 : vector<2048x256xi32> to vector<2048x256x1xi32>
    %gather3A_106 = vector.shape_cast %reshape3A_105 : vector<2048x256x1xi32> to vector<2048x256xi32>
    %gather3A_107 = tpu.dynamic_gather %get3A_97[%gather3A_106] in [0] : vector<8x256xf32>, vector<2048x256xi32> -> vector<2048x256xf32>
    %select_n3A_108 = arith.select %eq3A_25, %gather3A_107, %gather3A_94 : vector<2048x256xi1>, vector<2048x256xf32>
    %get3A_109 = arith.constant 16 : index
    %get3A_110 = arith.constant 0 : index
    %get3A_111 = vector.load %arg3[%get3A_109, %get3A_110] : memref<32x256xf32, #tpu.memory_space<vmem>>, vector<8x256xf32>
    %lt3A_112 = arith.constant 0 : i32
    %lt3A_113 = vector.broadcast %lt3A_112 : i32 to vector<2048x256xi32>
    %lt3A_114 = arith.cmpi slt, %and3A_21, %lt3A_113 : vector<2048x256xi32>
    %add3A_115 = arith.constant 8 : i32
    %add3A_116 = vector.broadcast %add3A_115 : i32 to vector<2048x256xi32>
    %add3A_117 = arith.addi %and3A_21, %add3A_116 : vector<2048x256xi32>
    %select_n3A_118 = arith.select %lt3A_114, %add3A_117, %and3A_21 : vector<2048x256xi1>, vector<2048x256xi32>
    %reshape3A_119 = vector.shape_cast %select_n3A_118 : vector<2048x256xi32> to vector<2048x256x1xi32>
    %gather3A_120 = vector.shape_cast %reshape3A_119 : vector<2048x256x1xi32> to vector<2048x256xi32>
    %gather3A_121 = tpu.dynamic_gather %get3A_111[%gather3A_120] in [0] : vector<8x256xf32>, vector<2048x256xi32> -> vector<2048x256xf32>
    %select_n3A_122 = arith.select %eq3A_28, %gather3A_121, %select_n3A_108 : vector<2048x256xi1>, vector<2048x256xf32>
    %get3A_123 = arith.constant 24 : index
    %get3A_124 = arith.constant 0 : index
    %get3A_125 = vector.load %arg3[%get3A_123, %get3A_124] : memref<32x256xf32, #tpu.memory_space<vmem>>, vector<8x256xf32>
    %lt3A_126 = arith.constant 0 : i32
    %lt3A_127 = vector.broadcast %lt3A_126 : i32 to vector<2048x256xi32>
    %lt3A_128 = arith.cmpi slt, %and3A_21, %lt3A_127 : vector<2048x256xi32>
    %add3A_129 = arith.constant 8 : i32
    %add3A_130 = vector.broadcast %add3A_129 : i32 to vector<2048x256xi32>
    %add3A_131 = arith.addi %and3A_21, %add3A_130 : vector<2048x256xi32>
    %select_n3A_132 = arith.select %lt3A_128, %add3A_131, %and3A_21 : vector<2048x256xi1>, vector<2048x256xi32>
    %reshape3A_133 = vector.shape_cast %select_n3A_132 : vector<2048x256xi32> to vector<2048x256x1xi32>
    %gather3A_134 = vector.shape_cast %reshape3A_133 : vector<2048x256x1xi32> to vector<2048x256xi32>
    %gather3A_135 = tpu.dynamic_gather %get3A_125[%gather3A_134] in [0] : vector<8x256xf32>, vector<2048x256xi32> -> vector<2048x256xf32>
    %select_n3A_136 = arith.select %eq3A_31, %gather3A_135, %select_n3A_122 : vector<2048x256xi1>, vector<2048x256xf32>
    %get3A_137 = arith.constant 1 : index
    %get3A_138 = arith.constant 0 : index
    %get3A_139 = vector.load %arg6[%get3A_137, %get3A_138] : memref<3x256xf32, #tpu.memory_space<vmem>>, vector<1x256xf32>
    %get3A_140 = vector.shape_cast %get3A_139 : vector<1x256xf32> to vector<256xf32>
    %get3A_141 = arith.constant 2 : index
    %get3A_142 = arith.constant 0 : index
    %get3A_143 = vector.load %arg6[%get3A_141, %get3A_142] : memref<3x256xf32, #tpu.memory_space<vmem>>, vector<1x256xf32>
    %get3A_144 = vector.shape_cast %get3A_143 : vector<1x256xf32> to vector<256xf32>
    %sub3A_145 = arith.subf %get3A_1, %select_n3A_81 : vector<2048x256xf32>
    %sub3A_146 = arith.subf %select_n3A_136, %select_n3A_81 : vector<2048x256xf32>
    %div3A = arith.divf %sub3A_145, %sub3A_146 : vector<2048x256xf32>
    %jit3A_147 = arith.constant 0.000000e+00 : f32
    %jit3A_148 = arith.constant 1.000000e+00 : f32
    %max3A_149 = vector.broadcast %jit3A_147 : f32 to vector<2048x256xf32>
    %max3A_150 = arith.maximumf %max3A_149, %div3A : vector<2048x256xf32>
    %min3A_151 = vector.broadcast %jit3A_148 : f32 to vector<2048x256xf32>
    %min3A_152 = arith.minimumf %min3A_151, %max3A_150 : vector<2048x256xf32>
    %sub3A_153 = arith.subf %select_n3A_136, %select_n3A_81 : vector<2048x256xf32>
    %sub3A_154 = arith.subf %select_n3A_136, %select_n3A_81 : vector<2048x256xf32>
    %div3A_155 = arith.divf %sub3A_153, %sub3A_154 : vector<2048x256xf32>
    %sub3A_156 = arith.constant 1.000000e+00 : f32
    %sub3A_157 = vector.broadcast %sub3A_156 : f32 to vector<2048x256xf32>
    %sub3A_158 = arith.subf %sub3A_157, %min3A_152 : vector<2048x256xf32>
    %mul3A_159 = arith.mulf %min3A_152, %sub3A_158 : vector<2048x256xf32>
    %add3A_160 = arith.addf %get3A_144, %get3A_140 : vector<256xf32>
    %mul3A_161 = arith.constant 2.000000e+00 : f32
    %mul3A_162 = vector.broadcast %mul3A_161 : f32 to vector<2048x256xf32>
    %mul3A_163 = arith.mulf %mul3A_162, %div3A_155 : vector<2048x256xf32>
    %broadcast_in_dim3A_164 = vector.shape_cast %add3A_160 : vector<256xf32> to vector<1x256xf32>
    %sub3A_165 = vector.broadcast %broadcast_in_dim3A_164 : vector<1x256xf32> to vector<2048x256xf32>
    %sub3A_166 = arith.subf %sub3A_165, %mul3A_163 : vector<2048x256xf32>
    %mul3A_167 = arith.mulf %sub3A_166, %mul3A_159 : vector<2048x256xf32>
    %add3A_168 = arith.addf %div3A_155, %mul3A_167 : vector<2048x256xf32>
    %integer_pow3A = arith.mulf %min3A_152, %min3A_152 : vector<2048x256xf32>
    %broadcast_in_dim3A_169 = vector.shape_cast %get3A_144 : vector<256xf32> to vector<1x256xf32>
    %mul3A_170 = vector.broadcast %broadcast_in_dim3A_169 : vector<1x256xf32> to vector<2048x256xf32>
    %mul3A_171 = arith.mulf %mul3A_170, %integer_pow3A : vector<2048x256xf32>
    %mul3A_172 = arith.constant 2.000000e+00 : f32
    %mul3A_173 = vector.broadcast %mul3A_172 : f32 to vector<2048x256xf32>
    %mul3A_174 = arith.mulf %mul3A_173, %div3A_155 : vector<2048x256xf32>
    %mul3A_175 = arith.mulf %mul3A_174, %mul3A_159 : vector<2048x256xf32>
    %add3A_176 = arith.addf %mul3A_171, %mul3A_175 : vector<2048x256xf32>
    %sub3A_177 = arith.constant 1.000000e+00 : f32
    %sub3A_178 = vector.broadcast %sub3A_177 : f32 to vector<2048x256xf32>
    %sub3A_179 = arith.subf %sub3A_178, %min3A_152 : vector<2048x256xf32>
    %integer_pow3A_180 = arith.mulf %sub3A_179, %sub3A_179 : vector<2048x256xf32>
    %broadcast_in_dim3A_181 = vector.shape_cast %get3A_140 : vector<256xf32> to vector<1x256xf32>
    %mul3A_182 = vector.broadcast %broadcast_in_dim3A_181 : vector<1x256xf32> to vector<2048x256xf32>
    %mul3A_183 = arith.mulf %mul3A_182, %integer_pow3A_180 : vector<2048x256xf32>
    %add3A_184 = arith.addf %add3A_176, %mul3A_183 : vector<2048x256xf32>
    %log3A = math.log %div3A_155 : vector<2048x256xf32>
    %mul3A_185 = arith.constant 2.000000e+00 : f32
    %mul3A_186 = vector.broadcast %mul3A_185 : f32 to vector<2048x256xf32>
    %mul3A_187 = arith.mulf %mul3A_186, %log3A : vector<2048x256xf32>
    %log3A_188 = math.log %add3A_184 : vector<2048x256xf32>
    %add3A_189 = arith.addf %mul3A_187, %log3A_188 : vector<2048x256xf32>
    %log3A_190 = math.log %add3A_168 : vector<2048x256xf32>
    %mul3A_191 = arith.constant 2.000000e+00 : f32
    %mul3A_192 = vector.broadcast %mul3A_191 : f32 to vector<2048x256xf32>
    %mul3A_193 = arith.mulf %mul3A_192, %log3A_190 : vector<2048x256xf32>
    %sub3A_194 = arith.subf %add3A_189, %mul3A_193 : vector<2048x256xf32>
    %get3A_195 = arith.constant 0 : index
    %get3A_196 = arith.constant 0 : index
    %get3A_197 = vector.load %arg5[%get3A_195, %get3A_196] : memref<2x256xf32, #tpu.memory_space<vmem>>, vector<1x256xf32>
    %get3A_198 = vector.shape_cast %get3A_197 : vector<1x256xf32> to vector<256xf32>
    %broadcast_in_dim3A_199 = vector.shape_cast %get3A_198 : vector<256xf32> to vector<1x256xf32>
    %broadcast_in_dim3A_200 = vector.broadcast %broadcast_in_dim3A_199 : vector<1x256xf32> to vector<2048x256xf32>
    %get3A_201 = arith.constant 1 : index
    %get3A_202 = arith.constant 0 : index
    %get3A_203 = vector.load %arg5[%get3A_201, %get3A_202] : memref<2x256xf32, #tpu.memory_space<vmem>>, vector<1x256xf32>
    %get3A_204 = vector.shape_cast %get3A_203 : vector<1x256xf32> to vector<256xf32>
    %broadcast_in_dim3A_205 = vector.shape_cast %get3A_204 : vector<256xf32> to vector<1x256xf32>
    %broadcast_in_dim3A_206 = vector.broadcast %broadcast_in_dim3A_205 : vector<1x256xf32> to vector<2048x256xf32>
    %broadcast_in_dim3A_207 = vector.shape_cast %get3A_5 : vector<256xf32> to vector<1x256xf32>
    %le3A = vector.broadcast %broadcast_in_dim3A_207 : vector<1x256xf32> to vector<2048x256xf32>
    %le3A_208 = arith.cmpf ole, %get3A_1, %le3A : vector<2048x256xf32>
    %broadcast_in_dim3A_209 = vector.shape_cast %get3A_9 : vector<256xf32> to vector<1x256xf32>
    %gt3A = vector.broadcast %broadcast_in_dim3A_209 : vector<1x256xf32> to vector<2048x256xf32>
    %gt3A_210 = arith.cmpf ogt, %get3A_1, %gt3A : vector<2048x256xf32>
    %select_n3A_211 = arith.select %gt3A_210, %broadcast_in_dim3A_206, %sub3A_194 : vector<2048x256xi1>, vector<2048x256xf32>
    %select_n3A_212 = arith.select %le3A_208, %broadcast_in_dim3A_200, %select_n3A_211 : vector<2048x256xi1>, vector<2048x256xf32>
    %sub3A_213 = arith.subf %select_n3A_136, %select_n3A_81 : vector<2048x256xf32>
    %add3A_214 = arith.addf %integer_pow3A, %mul3A_159 : vector<2048x256xf32>
    %mul3A_215 = arith.mulf %sub3A_213, %add3A_214 : vector<2048x256xf32>
    %add3A_216 = arith.addf %select_n3A_81, %mul3A_215 : vector<2048x256xf32>
    %broadcast_in_dim3A_217 = vector.shape_cast %get3A_5 : vector<256xf32> to vector<1x256xf32>
    %sub3A_218 = vector.broadcast %broadcast_in_dim3A_217 : vector<1x256xf32> to vector<2048x256xf32>
    %sub3A_219 = arith.subf %get3A_1, %sub3A_218 : vector<2048x256xf32>
    %broadcast_in_dim3A_220 = vector.shape_cast %get3A_5 : vector<256xf32> to vector<1x256xf32>
    %add3A_221 = vector.broadcast %broadcast_in_dim3A_220 : vector<1x256xf32> to vector<2048x256xf32>
    %add3A_222 = arith.addf %add3A_221, %sub3A_219 : vector<2048x256xf32>
    %broadcast_in_dim3A_223 = vector.shape_cast %get3A_9 : vector<256xf32> to vector<1x256xf32>
    %sub3A_224 = vector.broadcast %broadcast_in_dim3A_223 : vector<1x256xf32> to vector<2048x256xf32>
    %sub3A_225 = arith.subf %get3A_1, %sub3A_224 : vector<2048x256xf32>
    %broadcast_in_dim3A_226 = vector.shape_cast %get3A_9 : vector<256xf32> to vector<1x256xf32>
    %add3A_227 = vector.broadcast %broadcast_in_dim3A_226 : vector<1x256xf32> to vector<2048x256xf32>
    %add3A_228 = arith.addf %add3A_227, %sub3A_225 : vector<2048x256xf32>
    %select_n3A_229 = arith.select %gt3A_210, %add3A_228, %add3A_216 : vector<2048x256xi1>, vector<2048x256xf32>
    %select_n3A_230 = arith.select %le3A_208, %add3A_222, %select_n3A_229 : vector<2048x256xi1>, vector<2048x256xf32>
    %swap3A = arith.constant 0 : index
    %swap3A_231 = arith.constant 0 : index
    %swap3A_232 = vector.load %arg9[%swap3A, %swap3A_231] : memref<2048x256xf32, #tpu.memory_space<vmem>>, vector<2048x256xf32>
    tpu.vector_store %arg9[%swap3A, %swap3A_231], %select_n3A_230 {strides = array<i32>} : memref<2048x256xf32, #tpu.memory_space<vmem>>, vector<2048x256xf32>,
    %swap3A_233 = arith.constant 0 : index
    %swap3A_234 = arith.constant 0 : index
    %swap3A_235 = vector.load %arg10[%swap3A_233, %swap3A_234] : memref<2048x256xf32, #tpu.memory_space<vmem>>, vector<2048x256xf32>
    tpu.vector_store %arg10[%swap3A_233, %swap3A_234], %select_n3A_212 {strides = array<i32>} : memref<2048x256xf32, #tpu.memory_space<vmem>>, vector<2048x256xf32>,
    return
  }
  func.func @transform_0(%arg0: i32) -> (i32, i32) {
    %add3A = arith.constant 32 : i32
    %add3A_0 = arith.addi %arg0, %add3A : i32
    %c0_i32 = arith.constant 0 : i32
    %c0_i32_1 = arith.constant 0 : i32
    return %add3A_0, %c0_i32 : i32, i32
  }
  func.func @transform_1(%arg0: i32) -> (i32, i32) {
    %c0_i32 = arith.constant 0 : i32
    %c0_i32_0 = arith.constant 0 : i32
    %c0_i32_1 = arith.constant 0 : i32
    return %c0_i32, %c0_i32_0 : i32, i32
  }
  func.func @transform_2(%arg0: i32) -> (i32, i32) {
    %c0_i32 = arith.constant 0 : i32
    %c0_i32_0 = arith.constant 0 : i32
    %c0_i32_1 = arith.constant 0 : i32
    return %c0_i32, %c0_i32_0 : i32, i32
  }
  func.func @transform_3(%arg0: i32) -> (i32, i32) {
    %c0_i32 = arith.constant 0 : i32
    %c0_i32_0 = arith.constant 0 : i32
    %c0_i32_1 = arith.constant 0 : i32
    return %c0_i32, %c0_i32_0 : i32, i32
  }
  func.func @transform_4(%arg0: i32) -> (i32, i32) {
    %c0_i32 = arith.constant 0 : i32
    %c0_i32_0 = arith.constant 0 : i32
    %c0_i32_1 = arith.constant 0 : i32
    return %c0_i32, %c0_i32_0 : i32, i32
  }
  func.func @transform_5(%arg0: i32) -> (i32, i32) {
    %c0_i32 = arith.constant 0 : i32
    %c0_i32_0 = arith.constant 0 : i32
    %c0_i32_1 = arith.constant 0 : i32
    return %c0_i32, %c0_i32_0 : i32, i32
  }
  func.func @transform_8(%arg0: i32) -> (i32, i32) {
    %add3A = arith.constant 32 : i32
    %add3A_0 = arith.addi %arg0, %add3A : i32
    %c0_i32 = arith.constant 0 : i32
    %c0_i32_1 = arith.constant 0 : i32
    return %add3A_0, %c0_i32 : i32, i32
  }
  func.func @transform_9(%arg0: i32) -> (i32, i32) {
    %add3A = arith.constant 32 : i32
    %add3A_0 = arith.addi %arg0, %add3A : i32
    %c0_i32 = arith.constant 0 : i32
    %c0_i32_1 = arith.constant 0 : i32
    return %add3A_0, %c0_i32 : i32, i32
  }
}

module attributes {stable_mosaic.version = 14 : i64} {
  func.func @_tc_logd_block(%arg0: i32, %arg1: memref<2048x256xf32, #tpu.memory_space<vmem>>, %arg2: memref<32x256xf32, #tpu.memory_space<vmem>>, %arg3: memref<32x256xf32, #tpu.memory_space<vmem>>, %arg4: memref<1x256xf32, #tpu.memory_space<vmem>>, %arg5: memref<2x256xf32, #tpu.memory_space<vmem>>, %arg6: memref<3x256xf32, #tpu.memory_space<vmem>>, %arg7: memref<2048x256xf32, #tpu.memory_space<vmem>>) attributes {dimension_semantics = [#tpu.dimension_semantics<arbitrary>], iteration_bounds = array<i64: 32>, scalar_prefetch = 0 : i64, scratch_operands = 0 : i64, tpu.core_type = #tpu.core_type<tc>, window_params = [{transform_indices = @transform_0, window_bounds = array<i64: 2048, 256>}, {pipeline_mode = #tpu.pipeline_mode<synchronous>, transform_indices = @transform_1, window_bounds = array<i64: 32, 256>}, {pipeline_mode = #tpu.pipeline_mode<synchronous>, transform_indices = @transform_2, window_bounds = array<i64: 32, 256>}, {pipeline_mode = #tpu.pipeline_mode<synchronous>, transform_indices = @transform_3, window_bounds = array<i64: 1, 256>}, {pipeline_mode = #tpu.pipeline_mode<synchronous>, transform_indices = @transform_4, window_bounds = array<i64: 2, 256>}, {pipeline_mode = #tpu.pipeline_mode<synchronous>, transform_indices = @transform_5, window_bounds = array<i64: 3, 256>}, {transform_indices = @transform_6, window_bounds = array<i64: 2048, 256>}]} {
    %get3A = arith.constant 0 : index
    %get3A_0 = arith.constant 0 : index
    %get3A_1 = vector.load %arg1[%get3A, %get3A_0] : memref<2048x256xf32, #tpu.memory_space<vmem>>, vector<2048x256xf32>
    %get3A_2 = arith.constant 0 : index
    %get3A_3 = arith.constant 0 : index
    %get3A_4 = vector.load %arg2[%get3A_2, %get3A_3] : memref<32x256xf32, #tpu.memory_space<vmem>>, vector<1x256xf32>
    %get3A_5 = vector.shape_cast %get3A_4 : vector<1x256xf32> to vector<256xf32>
    %get3A_6 = arith.constant 30 : index
    %get3A_7 = arith.constant 0 : index
    %get3A_8 = vector.load %arg3[%get3A_6, %get3A_7] : memref<32x256xf32, #tpu.memory_space<vmem>>, vector<1x256xf32>
    %get3A_9 = vector.shape_cast %get3A_8 : vector<1x256xf32> to vector<256xf32>
    %get3A_10 = arith.constant 0 : index
    %get3A_11 = arith.constant 0 : index
    %get3A_12 = vector.load %arg4[%get3A_10, %get3A_11] : memref<1x256xf32, #tpu.memory_space<vmem>>, vector<1x256xf32>
    %get3A_13 = vector.shape_cast %get3A_12 : vector<1x256xf32> to vector<256xf32>
    %broadcast_in_dim3A = vector.shape_cast %get3A_5 : vector<256xf32> to vector<1x256xf32>
    %sub3A = vector.broadcast %broadcast_in_dim3A : vector<1x256xf32> to vector<2048x256xf32>
    %sub3A_14 = arith.subf %get3A_1, %sub3A : vector<2048x256xf32>
    %broadcast_in_dim3A_15 = vector.shape_cast %get3A_13 : vector<256xf32> to vector<1x256xf32>
    %mul3A = vector.broadcast %broadcast_in_dim3A_15 : vector<1x256xf32> to vector<2048x256xf32>
    %mul3A_16 = arith.mulf %sub3A_14, %mul3A : vector<2048x256xf32>
    %convert_element_type3A = arith.fptosi %mul3A_16 : vector<2048x256xf32> to vector<2048x256xi32>
    %jit3A = arith.constant 0 : i32
    %jit3A_17 = arith.constant 30 : i32
    %max3A = vector.broadcast %jit3A : i32 to vector<2048x256xi32>
    %max3A_18 = arith.maxsi %max3A, %convert_element_type3A : vector<2048x256xi32>
    %min3A = vector.broadcast %jit3A_17 : i32 to vector<2048x256xi32>
    %min3A_19 = arith.minsi %min3A, %max3A_18 : vector<2048x256xi32>
    %and3A = arith.constant 7 : i32
    %and3A_20 = vector.broadcast %and3A : i32 to vector<2048x256xi32>
    %and3A_21 = arith.andi %min3A_19, %and3A_20 : vector<2048x256xi32>
    %shift_right_arithmetic3A = arith.constant 3 : i32
    %shift_right_arithmetic3A_22 = vector.broadcast %shift_right_arithmetic3A : i32 to vector<2048x256xi32>
    %shift_right_arithmetic3A_23 = arith.shrsi %min3A_19, %shift_right_arithmetic3A_22 : vector<2048x256xi32>
    %eq3A = arith.constant 1 : i32
    %eq3A_24 = vector.broadcast %eq3A : i32 to vector<2048x256xi32>
    %eq3A_25 = arith.cmpi eq, %shift_right_arithmetic3A_23, %eq3A_24 : vector<2048x256xi32>
    %eq3A_26 = arith.constant 2 : i32
    %eq3A_27 = vector.broadcast %eq3A_26 : i32 to vector<2048x256xi32>
    %eq3A_28 = arith.cmpi eq, %shift_right_arithmetic3A_23, %eq3A_27 : vector<2048x256xi32>
    %eq3A_29 = arith.constant 3 : i32
    %eq3A_30 = vector.broadcast %eq3A_29 : i32 to vector<2048x256xi32>
    %eq3A_31 = arith.cmpi eq, %shift_right_arithmetic3A_23, %eq3A_30 : vector<2048x256xi32>
    %get3A_32 = arith.constant 0 : index
    %get3A_33 = arith.constant 0 : index
    %get3A_34 = vector.load %arg2[%get3A_32, %get3A_33] : memref<32x256xf32, #tpu.memory_space<vmem>>, vector<8x256xf32>
    %lt3A = arith.constant 0 : i32
    %lt3A_35 = vector.broadcast %lt3A : i32 to vector<2048x256xi32>
    %lt3A_36 = arith.cmpi slt, %and3A_21, %lt3A_35 : vector<2048x256xi32>
    %add3A = arith.constant 8 : i32
    %add3A_37 = vector.broadcast %add3A : i32 to vector<2048x256xi32>
    %add3A_38 = arith.addi %and3A_21, %add3A_37 : vector<2048x256xi32>
    %select_n3A = arith.select %lt3A_36, %add3A_38, %and3A_21 : vector<2048x256xi1>, vector<2048x256xi32>
    %reshape3A = vector.shape_cast %select_n3A : vector<2048x256xi32> to vector<2048x256x1xi32>
    %gather3A = vector.shape_cast %reshape3A : vector<2048x256x1xi32> to vector<2048x256xi32>
    %gather3A_39 = tpu.dynamic_gather %get3A_34[%gather3A] in [0] : vector<8x256xf32>, vector<2048x256xi32> -> vector<2048x256xf32>
    %get3A_40 = arith.constant 8 : index
    %get3A_41 = arith.constant 0 : index
    %get3A_42 = vector.load %arg2[%get3A_40, %get3A_41] : memref<32x256xf32, #tpu.memory_space<vmem>>, vector<8x256xf32>
    %lt3A_43 = arith.constant 0 : i32
    %lt3A_44 = vector.broadcast %lt3A_43 : i32 to vector<2048x256xi32>
    %lt3A_45 = arith.cmpi slt, %and3A_21, %lt3A_44 : vector<2048x256xi32>
    %add3A_46 = arith.constant 8 : i32
    %add3A_47 = vector.broadcast %add3A_46 : i32 to vector<2048x256xi32>
    %add3A_48 = arith.addi %and3A_21, %add3A_47 : vector<2048x256xi32>
    %select_n3A_49 = arith.select %lt3A_45, %add3A_48, %and3A_21 : vector<2048x256xi1>, vector<2048x256xi32>
    %reshape3A_50 = vector.shape_cast %select_n3A_49 : vector<2048x256xi32> to vector<2048x256x1xi32>
    %gather3A_51 = vector.shape_cast %reshape3A_50 : vector<2048x256x1xi32> to vector<2048x256xi32>
    %gather3A_52 = tpu.dynamic_gather %get3A_42[%gather3A_51] in [0] : vector<8x256xf32>, vector<2048x256xi32> -> vector<2048x256xf32>
    %select_n3A_53 = arith.select %eq3A_25, %gather3A_52, %gather3A_39 : vector<2048x256xi1>, vector<2048x256xf32>
    %get3A_54 = arith.constant 16 : index
    %get3A_55 = arith.constant 0 : index
    %get3A_56 = vector.load %arg2[%get3A_54, %get3A_55] : memref<32x256xf32, #tpu.memory_space<vmem>>, vector<8x256xf32>
    %lt3A_57 = arith.constant 0 : i32
    %lt3A_58 = vector.broadcast %lt3A_57 : i32 to vector<2048x256xi32>
    %lt3A_59 = arith.cmpi slt, %and3A_21, %lt3A_58 : vector<2048x256xi32>
    %add3A_60 = arith.constant 8 : i32
    %add3A_61 = vector.broadcast %add3A_60 : i32 to vector<2048x256xi32>
    %add3A_62 = arith.addi %and3A_21, %add3A_61 : vector<2048x256xi32>
    %select_n3A_63 = arith.select %lt3A_59, %add3A_62, %and3A_21 : vector<2048x256xi1>, vector<2048x256xi32>
    %reshape3A_64 = vector.shape_cast %select_n3A_63 : vector<2048x256xi32> to vector<2048x256x1xi32>
    %gather3A_65 = vector.shape_cast %reshape3A_64 : vector<2048x256x1xi32> to vector<2048x256xi32>
    %gather3A_66 = tpu.dynamic_gather %get3A_56[%gather3A_65] in [0] : vector<8x256xf32>, vector<2048x256xi32> -> vector<2048x256xf32>
    %select_n3A_67 = arith.select %eq3A_28, %gather3A_66, %select_n3A_53 : vector<2048x256xi1>, vector<2048x256xf32>
    %get3A_68 = arith.constant 24 : index
    %get3A_69 = arith.constant 0 : index
    %get3A_70 = vector.load %arg2[%get3A_68, %get3A_69] : memref<32x256xf32, #tpu.memory_space<vmem>>, vector<8x256xf32>
    %lt3A_71 = arith.constant 0 : i32
    %lt3A_72 = vector.broadcast %lt3A_71 : i32 to vector<2048x256xi32>
    %lt3A_73 = arith.cmpi slt, %and3A_21, %lt3A_72 : vector<2048x256xi32>
    %add3A_74 = arith.constant 8 : i32
    %add3A_75 = vector.broadcast %add3A_74 : i32 to vector<2048x256xi32>
    %add3A_76 = arith.addi %and3A_21, %add3A_75 : vector<2048x256xi32>
    %select_n3A_77 = arith.select %lt3A_73, %add3A_76, %and3A_21 : vector<2048x256xi1>, vector<2048x256xi32>
    %reshape3A_78 = vector.shape_cast %select_n3A_77 : vector<2048x256xi32> to vector<2048x256x1xi32>
    %gather3A_79 = vector.shape_cast %reshape3A_78 : vector<2048x256x1xi32> to vector<2048x256xi32>
    %gather3A_80 = tpu.dynamic_gather %get3A_70[%gather3A_79] in [0] : vector<8x256xf32>, vector<2048x256xi32> -> vector<2048x256xf32>
    %select_n3A_81 = arith.select %eq3A_31, %gather3A_80, %select_n3A_67 : vector<2048x256xi1>, vector<2048x256xf32>
    %get3A_82 = arith.constant 0 : index
    %get3A_83 = arith.constant 0 : index
    %get3A_84 = vector.load %arg3[%get3A_82, %get3A_83] : memref<32x256xf32, #tpu.memory_space<vmem>>, vector<8x256xf32>
    %lt3A_85 = arith.constant 0 : i32
    %lt3A_86 = vector.broadcast %lt3A_85 : i32 to vector<2048x256xi32>
    %lt3A_87 = arith.cmpi slt, %and3A_21, %lt3A_86 : vector<2048x256xi32>
    %add3A_88 = arith.constant 8 : i32
    %add3A_89 = vector.broadcast %add3A_88 : i32 to vector<2048x256xi32>
    %add3A_90 = arith.addi %and3A_21, %add3A_89 : vector<2048x256xi32>
    %select_n3A_91 = arith.select %lt3A_87, %add3A_90, %and3A_21 : vector<2048x256xi1>, vector<2048x256xi32>
    %reshape3A_92 = vector.shape_cast %select_n3A_91 : vector<2048x256xi32> to vector<2048x256x1xi32>
    %gather3A_93 = vector.shape_cast %reshape3A_92 : vector<2048x256x1xi32> to vector<2048x256xi32>
    %gather3A_94 = tpu.dynamic_gather %get3A_84[%gather3A_93] in [0] : vector<8x256xf32>, vector<2048x256xi32> -> vector<2048x256xf32>
    %get3A_95 = arith.constant 8 : index
    %get3A_96 = arith.constant 0 : index
    %get3A_97 = vector.load %arg3[%get3A_95, %get3A_96] : memref<32x256xf32, #tpu.memory_space<vmem>>, vector<8x256xf32>
    %lt3A_98 = arith.constant 0 : i32
    %lt3A_99 = vector.broadcast %lt3A_98 : i32 to vector<2048x256xi32>
    %lt3A_100 = arith.cmpi slt, %and3A_21, %lt3A_99 : vector<2048x256xi32>
    %add3A_101 = arith.constant 8 : i32
    %add3A_102 = vector.broadcast %add3A_101 : i32 to vector<2048x256xi32>
    %add3A_103 = arith.addi %and3A_21, %add3A_102 : vector<2048x256xi32>
    %select_n3A_104 = arith.select %lt3A_100, %add3A_103, %and3A_21 : vector<2048x256xi1>, vector<2048x256xi32>
    %reshape3A_105 = vector.shape_cast %select_n3A_104 : vector<2048x256xi32> to vector<2048x256x1xi32>
    %gather3A_106 = vector.shape_cast %reshape3A_105 : vector<2048x256x1xi32> to vector<2048x256xi32>
    %gather3A_107 = tpu.dynamic_gather %get3A_97[%gather3A_106] in [0] : vector<8x256xf32>, vector<2048x256xi32> -> vector<2048x256xf32>
    %select_n3A_108 = arith.select %eq3A_25, %gather3A_107, %gather3A_94 : vector<2048x256xi1>, vector<2048x256xf32>
    %get3A_109 = arith.constant 16 : index
    %get3A_110 = arith.constant 0 : index
    %get3A_111 = vector.load %arg3[%get3A_109, %get3A_110] : memref<32x256xf32, #tpu.memory_space<vmem>>, vector<8x256xf32>
    %lt3A_112 = arith.constant 0 : i32
    %lt3A_113 = vector.broadcast %lt3A_112 : i32 to vector<2048x256xi32>
    %lt3A_114 = arith.cmpi slt, %and3A_21, %lt3A_113 : vector<2048x256xi32>
    %add3A_115 = arith.constant 8 : i32
    %add3A_116 = vector.broadcast %add3A_115 : i32 to vector<2048x256xi32>
    %add3A_117 = arith.addi %and3A_21, %add3A_116 : vector<2048x256xi32>
    %select_n3A_118 = arith.select %lt3A_114, %add3A_117, %and3A_21 : vector<2048x256xi1>, vector<2048x256xi32>
    %reshape3A_119 = vector.shape_cast %select_n3A_118 : vector<2048x256xi32> to vector<2048x256x1xi32>
    %gather3A_120 = vector.shape_cast %reshape3A_119 : vector<2048x256x1xi32> to vector<2048x256xi32>
    %gather3A_121 = tpu.dynamic_gather %get3A_111[%gather3A_120] in [0] : vector<8x256xf32>, vector<2048x256xi32> -> vector<2048x256xf32>
    %select_n3A_122 = arith.select %eq3A_28, %gather3A_121, %select_n3A_108 : vector<2048x256xi1>, vector<2048x256xf32>
    %get3A_123 = arith.constant 24 : index
    %get3A_124 = arith.constant 0 : index
    %get3A_125 = vector.load %arg3[%get3A_123, %get3A_124] : memref<32x256xf32, #tpu.memory_space<vmem>>, vector<8x256xf32>
    %lt3A_126 = arith.constant 0 : i32
    %lt3A_127 = vector.broadcast %lt3A_126 : i32 to vector<2048x256xi32>
    %lt3A_128 = arith.cmpi slt, %and3A_21, %lt3A_127 : vector<2048x256xi32>
    %add3A_129 = arith.constant 8 : i32
    %add3A_130 = vector.broadcast %add3A_129 : i32 to vector<2048x256xi32>
    %add3A_131 = arith.addi %and3A_21, %add3A_130 : vector<2048x256xi32>
    %select_n3A_132 = arith.select %lt3A_128, %add3A_131, %and3A_21 : vector<2048x256xi1>, vector<2048x256xi32>
    %reshape3A_133 = vector.shape_cast %select_n3A_132 : vector<2048x256xi32> to vector<2048x256x1xi32>
    %gather3A_134 = vector.shape_cast %reshape3A_133 : vector<2048x256x1xi32> to vector<2048x256xi32>
    %gather3A_135 = tpu.dynamic_gather %get3A_125[%gather3A_134] in [0] : vector<8x256xf32>, vector<2048x256xi32> -> vector<2048x256xf32>
    %select_n3A_136 = arith.select %eq3A_31, %gather3A_135, %select_n3A_122 : vector<2048x256xi1>, vector<2048x256xf32>
    %get3A_137 = arith.constant 1 : index
    %get3A_138 = arith.constant 0 : index
    %get3A_139 = vector.load %arg6[%get3A_137, %get3A_138] : memref<3x256xf32, #tpu.memory_space<vmem>>, vector<1x256xf32>
    %get3A_140 = vector.shape_cast %get3A_139 : vector<1x256xf32> to vector<256xf32>
    %get3A_141 = arith.constant 2 : index
    %get3A_142 = arith.constant 0 : index
    %get3A_143 = vector.load %arg6[%get3A_141, %get3A_142] : memref<3x256xf32, #tpu.memory_space<vmem>>, vector<1x256xf32>
    %get3A_144 = vector.shape_cast %get3A_143 : vector<1x256xf32> to vector<256xf32>
    %sub3A_145 = arith.subf %get3A_1, %select_n3A_81 : vector<2048x256xf32>
    %sub3A_146 = arith.subf %select_n3A_136, %select_n3A_81 : vector<2048x256xf32>
    %div3A = arith.divf %sub3A_145, %sub3A_146 : vector<2048x256xf32>
    %jit3A_147 = arith.constant 0.000000e+00 : f32
    %jit3A_148 = arith.constant 1.000000e+00 : f32
    %max3A_149 = vector.broadcast %jit3A_147 : f32 to vector<2048x256xf32>
    %max3A_150 = arith.maximumf %max3A_149, %div3A : vector<2048x256xf32>
    %min3A_151 = vector.broadcast %jit3A_148 : f32 to vector<2048x256xf32>
    %min3A_152 = arith.minimumf %min3A_151, %max3A_150 : vector<2048x256xf32>
    %sub3A_153 = arith.subf %select_n3A_136, %select_n3A_81 : vector<2048x256xf32>
    %sub3A_154 = arith.subf %select_n3A_136, %select_n3A_81 : vector<2048x256xf32>
    %div3A_155 = arith.divf %sub3A_153, %sub3A_154 : vector<2048x256xf32>
    %sub3A_156 = arith.constant 1.000000e+00 : f32
    %sub3A_157 = vector.broadcast %sub3A_156 : f32 to vector<2048x256xf32>
    %sub3A_158 = arith.subf %sub3A_157, %min3A_152 : vector<2048x256xf32>
    %mul3A_159 = arith.mulf %min3A_152, %sub3A_158 : vector<2048x256xf32>
    %add3A_160 = arith.addf %get3A_144, %get3A_140 : vector<256xf32>
    %mul3A_161 = arith.constant 2.000000e+00 : f32
    %mul3A_162 = vector.broadcast %mul3A_161 : f32 to vector<2048x256xf32>
    %mul3A_163 = arith.mulf %mul3A_162, %div3A_155 : vector<2048x256xf32>
    %broadcast_in_dim3A_164 = vector.shape_cast %add3A_160 : vector<256xf32> to vector<1x256xf32>
    %sub3A_165 = vector.broadcast %broadcast_in_dim3A_164 : vector<1x256xf32> to vector<2048x256xf32>
    %sub3A_166 = arith.subf %sub3A_165, %mul3A_163 : vector<2048x256xf32>
    %mul3A_167 = arith.mulf %sub3A_166, %mul3A_159 : vector<2048x256xf32>
    %add3A_168 = arith.addf %div3A_155, %mul3A_167 : vector<2048x256xf32>
    %integer_pow3A = arith.mulf %min3A_152, %min3A_152 : vector<2048x256xf32>
    %broadcast_in_dim3A_169 = vector.shape_cast %get3A_144 : vector<256xf32> to vector<1x256xf32>
    %mul3A_170 = vector.broadcast %broadcast_in_dim3A_169 : vector<1x256xf32> to vector<2048x256xf32>
    %mul3A_171 = arith.mulf %mul3A_170, %integer_pow3A : vector<2048x256xf32>
    %mul3A_172 = arith.constant 2.000000e+00 : f32
    %mul3A_173 = vector.broadcast %mul3A_172 : f32 to vector<2048x256xf32>
    %mul3A_174 = arith.mulf %mul3A_173, %div3A_155 : vector<2048x256xf32>
    %mul3A_175 = arith.mulf %mul3A_174, %mul3A_159 : vector<2048x256xf32>
    %add3A_176 = arith.addf %mul3A_171, %mul3A_175 : vector<2048x256xf32>
    %sub3A_177 = arith.constant 1.000000e+00 : f32
    %sub3A_178 = vector.broadcast %sub3A_177 : f32 to vector<2048x256xf32>
    %sub3A_179 = arith.subf %sub3A_178, %min3A_152 : vector<2048x256xf32>
    %integer_pow3A_180 = arith.mulf %sub3A_179, %sub3A_179 : vector<2048x256xf32>
    %broadcast_in_dim3A_181 = vector.shape_cast %get3A_140 : vector<256xf32> to vector<1x256xf32>
    %mul3A_182 = vector.broadcast %broadcast_in_dim3A_181 : vector<1x256xf32> to vector<2048x256xf32>
    %mul3A_183 = arith.mulf %mul3A_182, %integer_pow3A_180 : vector<2048x256xf32>
    %add3A_184 = arith.addf %add3A_176, %mul3A_183 : vector<2048x256xf32>
    %log3A = math.log %div3A_155 : vector<2048x256xf32>
    %mul3A_185 = arith.constant 2.000000e+00 : f32
    %mul3A_186 = vector.broadcast %mul3A_185 : f32 to vector<2048x256xf32>
    %mul3A_187 = arith.mulf %mul3A_186, %log3A : vector<2048x256xf32>
    %log3A_188 = math.log %add3A_184 : vector<2048x256xf32>
    %add3A_189 = arith.addf %mul3A_187, %log3A_188 : vector<2048x256xf32>
    %log3A_190 = math.log %add3A_168 : vector<2048x256xf32>
    %mul3A_191 = arith.constant 2.000000e+00 : f32
    %mul3A_192 = vector.broadcast %mul3A_191 : f32 to vector<2048x256xf32>
    %mul3A_193 = arith.mulf %mul3A_192, %log3A_190 : vector<2048x256xf32>
    %sub3A_194 = arith.subf %add3A_189, %mul3A_193 : vector<2048x256xf32>
    %get3A_195 = arith.constant 0 : index
    %get3A_196 = arith.constant 0 : index
    %get3A_197 = vector.load %arg5[%get3A_195, %get3A_196] : memref<2x256xf32, #tpu.memory_space<vmem>>, vector<1x256xf32>
    %get3A_198 = vector.shape_cast %get3A_197 : vector<1x256xf32> to vector<256xf32>
    %broadcast_in_dim3A_199 = vector.shape_cast %get3A_198 : vector<256xf32> to vector<1x256xf32>
    %broadcast_in_dim3A_200 = vector.broadcast %broadcast_in_dim3A_199 : vector<1x256xf32> to vector<2048x256xf32>
    %get3A_201 = arith.constant 1 : index
    %get3A_202 = arith.constant 0 : index
    %get3A_203 = vector.load %arg5[%get3A_201, %get3A_202] : memref<2x256xf32, #tpu.memory_space<vmem>>, vector<1x256xf32>
    %get3A_204 = vector.shape_cast %get3A_203 : vector<1x256xf32> to vector<256xf32>
    %broadcast_in_dim3A_205 = vector.shape_cast %get3A_204 : vector<256xf32> to vector<1x256xf32>
    %broadcast_in_dim3A_206 = vector.broadcast %broadcast_in_dim3A_205 : vector<1x256xf32> to vector<2048x256xf32>
    %broadcast_in_dim3A_207 = vector.shape_cast %get3A_5 : vector<256xf32> to vector<1x256xf32>
    %le3A = vector.broadcast %broadcast_in_dim3A_207 : vector<1x256xf32> to vector<2048x256xf32>
    %le3A_208 = arith.cmpf ole, %get3A_1, %le3A : vector<2048x256xf32>
    %broadcast_in_dim3A_209 = vector.shape_cast %get3A_9 : vector<256xf32> to vector<1x256xf32>
    %gt3A = vector.broadcast %broadcast_in_dim3A_209 : vector<1x256xf32> to vector<2048x256xf32>
    %gt3A_210 = arith.cmpf ogt, %get3A_1, %gt3A : vector<2048x256xf32>
    %select_n3A_211 = arith.select %gt3A_210, %broadcast_in_dim3A_206, %sub3A_194 : vector<2048x256xi1>, vector<2048x256xf32>
    %select_n3A_212 = arith.select %le3A_208, %broadcast_in_dim3A_200, %select_n3A_211 : vector<2048x256xi1>, vector<2048x256xf32>
    %swap3A = arith.constant 0 : index
    %swap3A_213 = arith.constant 0 : index
    %swap3A_214 = vector.load %arg7[%swap3A, %swap3A_213] : memref<2048x256xf32, #tpu.memory_space<vmem>>, vector<2048x256xf32>
    tpu.vector_store %arg7[%swap3A, %swap3A_213], %select_n3A_212 {strides = array<i32>} : memref<2048x256xf32, #tpu.memory_space<vmem>>, vector<2048x256xf32>,
    return
  }
  func.func @transform_0(%arg0: i32) -> (i32, i32) {
    %c0_i32 = arith.constant 0 : i32
    %c0_i32_0 = arith.constant 0 : i32
    return %arg0, %c0_i32 : i32, i32
  }
  func.func @transform_1(%arg0: i32) -> (i32, i32) {
    %c0_i32 = arith.constant 0 : i32
    %c0_i32_0 = arith.constant 0 : i32
    %c0_i32_1 = arith.constant 0 : i32
    return %c0_i32, %c0_i32_0 : i32, i32
  }
  func.func @transform_2(%arg0: i32) -> (i32, i32) {
    %c0_i32 = arith.constant 0 : i32
    %c0_i32_0 = arith.constant 0 : i32
    %c0_i32_1 = arith.constant 0 : i32
    return %c0_i32, %c0_i32_0 : i32, i32
  }
  func.func @transform_3(%arg0: i32) -> (i32, i32) {
    %c0_i32 = arith.constant 0 : i32
    %c0_i32_0 = arith.constant 0 : i32
    %c0_i32_1 = arith.constant 0 : i32
    return %c0_i32, %c0_i32_0 : i32, i32
  }
  func.func @transform_4(%arg0: i32) -> (i32, i32) {
    %c0_i32 = arith.constant 0 : i32
    %c0_i32_0 = arith.constant 0 : i32
    %c0_i32_1 = arith.constant 0 : i32
    return %c0_i32, %c0_i32_0 : i32, i32
  }
  func.func @transform_5(%arg0: i32) -> (i32, i32) {
    %c0_i32 = arith.constant 0 : i32
    %c0_i32_0 = arith.constant 0 : i32
    %c0_i32_1 = arith.constant 0 : i32
    return %c0_i32, %c0_i32_0 : i32, i32
  }
  func.func @transform_6(%arg0: i32) -> (i32, i32) {
    %c0_i32 = arith.constant 0 : i32
    %c0_i32_0 = arith.constant 0 : i32
    return %arg0, %c0_i32 : i32, i32
  }
}

</mosaic_0001>

<sc_bundles>
// kernel: kernel.5.cloned.1.call-start
scs
__scs_entry_jumppad:
0x0: {  	(pc) =	sbr.rel $0x88, $3  }
0x1: {  	(tag) =	ssettag $0x0;
	lr =	simm.s32 $0x1  }
0x2: {  	[smem:$0x3F9B] =	sst lr;
	_ =	strace $0xD0000000  }
0x3: {  	_ = 	snop  }
0x4: {  	_ = 	snop  }
0x5: {  	_ = 	snop  }
0x6: {  	_ = 	snop  }
0x7: {  	_ = 	snop  }
__scs_overlays_trampoline_lowered:
0x8: {  	[smem:$0x3FAA] =	sst s0  }
0x9: {  	[smem:$0x3FAB] =	sst s1  }
0xa: {  	[smem:$0x3FAC] =	sst s2  }
0xb: {  	[smem:$0x3FAD] =	sst s3  }
0xc: {  	[smem:$0x3FAE] =	sst s4  }
0xd: {  	[smem:$0x3FAF] =	sst s5  }
0xe: {  	[smem:$0x3FB0] =	sst s6  }
0xf: {  	[smem:$0x3FB1] =	sst s7  }
0x10: {  	[smem:$0x3FB2] =	sst s8  }
0x11: {  	[smem:$0x3FB3] =	sst s9;
	s0 =	simm.s32 @!p0 $0x0  }
0x12: {  	s1 =	sld [smem:$0x3F99];
	s0 =	simm.s32 @p0 $0x1  }
0x13: {  	[smem:$0x3FB4] =	sst s0;
	s0 =	simm.s32 @!p1 $0x0  }
0x14: {  	s2 =	sld [smem:$0x3F98];
	s0 =	simm.s32 @p1 $0x1  }
0x15: {  	[smem:$0x3FB5] =	sst s0;
	s0 =	simm.s32 @!p2 $0x0  }
0x16: {  	s3 =	sld [smem:$0x3FDB];
	s0 =	simm.s32 @p2 $0x1  }
0x17: {  	s4 =	simm.s32 $0x1BF5;
	[smem:$0x3FB7] =	sst s0  }
0x18: {  	s0 =	sld [smem:$0x3F9A];
	_ =	swait.ge [sflag:s4], $0x0  }
0x19: {  	s7 =	sld [smem:$0x3F9B]  }
0x1a: {  	s8 =	sadd.s32 $0xFFFFE003, lr  }
0x1b: {  	s9 =	sadd.s32 $0xFFFFFEF7, lr;
	s5 =	simm.s32 $0xFFFFFFFF;
	p2 =	slt.u32 s8, $0xFFFFF086  }
0x1c: {  	p1 =	slt.u32 s9, $0xF7A;
	s5 =	simm.s32 @!p2 $0x0  }
0x1d: {  	s5 =	simm.s32 @p1 $0x1;
	p0 =	seq.s32 s7, s2  }
0x1e: {  	s7 =	smul.u32 @!p0 $0xF7A, s2;
	p2 =	seq.s32 @!p0 s5, $0x0  }
0x1f: {  	s9 =	smul.u32 $0xF7A, s1;
	s8 =	simm.s32 @!p0 $0x1BF5;
	p2 =	por !p2, p0  }
0x20: {  	[sflag:s8] =	ssyncset.s32 @!p0 $0xFFFFF086;
	s6 =	sadd.s32 @!p0 s3, s7;
	s7 =	simm.s32 @!p0 $0x108  }
0x21: {  	s3 =	sadd.s32 s3, s9;
	s6 =	sadd.s32 @!p0 $0x88, s6;
	s7 =	simm.s32 @p2 $0x1082  }
0x22: {  	[simem:s7], [sflag:s8] =	dma.local @!p0 [hbm:s6], $0xF7A  }
0x23: {  	s9 =	sor.u32 $0xD0000000, s2;
	s6 =	simm.s32 $0x108;
	_ =	swait.ge @!p0 [sflag:s8], $0x0  }
0x24: {  	s3 =	sadd.s32 $0x88, s3;
	s6 =	simm.s32 @!p1 $0x1082;
	[sflag:s4] =	ssyncset.s32 $0xFFFFF086  }
0x25: {  	[simem:s6], [sflag:s4] =	dma.local [hbm:s3], $0xF7A  }
0x26: {  	[smem:$0x3F9B] =	sst s1;
	(tag) =	ssettag s2;
	_ =	strace s9  }
0x27: {  	s1 =	sld [smem:$0x3FAB]  }
0x28: {  	s2 =	sld [smem:$0x3FAC]  }
0x29: {  	s4 =	sld [smem:$0x3FAE]  }
0x2a: {  	p0 =	seq.s32 s5, $0x0;
	s5 =	sld [smem:$0x3FAF]  }
0x2b: {  	s6 =	sld [smem:$0x3FB0]  }
0x2c: {  	s7 =	sld [smem:$0x3FB1]  }
0x2d: {  	s3 =	simm.s32 $0x108;
	s8 =	sld [smem:$0x3FB2]  }
0x2e: {  	s3 =	simm.s32 @!p0 $0x1082;
	s9 =	sld [smem:$0x3FB3]  }
0x2f: {  	lr =	sadd.s32 s0, s3;
	s0 =	sld [smem:$0x3FAA]  }
0x30: {  	s3 =	sld [smem:$0x3FAD]  }
0x31: {  	[smem:$0x3FB6] =	sst s10  }
0x32: {  	s10 =	sld [smem:$0x3FB4];
	_ =	sdelay $0x3  }
0x33: {  	p0 =	seq.s32 s10, $0x1;
	s10 =	sld [smem:$0x3FB6];
	_ =	sdelay $0x3  }
0x34: {  	[smem:$0x3FB6] =	sst s10  }
0x35: {  	s10 =	sld [smem:$0x3FB5];
	_ =	sdelay $0x3  }
0x36: {  	p1 =	seq.s32 s10, $0x1;
	s10 =	sld [smem:$0x3FB6];
	_ =	sdelay $0x3  }
0x37: {  	[smem:$0x3FB6] =	sst s10  }
0x38: {  	s10 =	sld [smem:$0x3FB7]  }
0x39: {  	_ = 	snop;
	(pc) =	sbr.ind lr, $3  }
0x3a: {  	_ = 	snop  }
0x3b: {  	_ = 	snop  }
0x3c: {  	p2 =	seq.s32 s10, $0x1;
	s10 =	sld [smem:$0x3FB6]  }
0x3d: {  	_ =	shalt  }
0x3e: {  	_ =	shalt  }
0x3f: {  	_ =	shalt  }
0x40: {  	_ =	shalt  }
0x41: {  	_ =	shalt  }
0x42: {  	_ =	shalt  }
0x43: {  	_ =	shalt  }
0x44: {  	_ =	shalt  }
0x45: {  	_ =	shalt  }
0x46: {  	_ =	shalt  }
0x47: {  	_ =	shalt  }
0x48: {  	_ =	shalt  }
0x49: {  	_ =	shalt  }
0x4a: {  	_ =	shalt  }
0x4b: {  	_ =	shalt  }
0x4c: {  	_ =	shalt  }
0x4d: {  	_ =	shalt  }
0x4e: {  	_ =	shalt  }
0x4f: {  	_ =	shalt  }
0x50: {  	_ =	shalt  }
0x51: {  	_ =	shalt  }
0x52: {  	_ =	shalt  }
0x53: {  	_ =	shalt  }
0x54: {  	_ =	shalt  }
0x55: {  	_ =	shalt  }
0x56: {  	_ =	shalt  }
0x57: {  	_ =	shalt  }
0x58: {  	_ =	shalt  }
0x59: {  	_ =	shalt  }
0x5a: {  	_ =	shalt  }
0x5b: {  	_ =	shalt  }
0x5c: {  	_ =	shalt  }
0x5d: {  	_ =	shalt  }
0x5e: {  	_ =	shalt  }
0x5f: {  	_ =	shalt  }
0x60: {  	_ =	shalt  }
0x61: {  	_ =	shalt  }
0x62: {  	_ =	shalt  }
0x63: {  	_ =	shalt  }
0x64: {  	_ =	shalt  }
0x65: {  	_ =	shalt  }
0x66: {  	_ =	shalt  }
0x67: {  	_ =	shalt  }
0x68: {  	_ =	shalt  }
0x69: {  	_ =	shalt  }
0x6a: {  	_ =	shalt  }
0x6b: {  	_ =	shalt  }
0x6c: {  	_ =	shalt  }
0x6d: {  	_ =	shalt  }
0x6e: {  	_ =	shalt  }
0x6f: {  	_ =	shalt  }
0x70: {  	_ =	shalt  }
0x71: {  	_ =	shalt  }
0x72: {  	_ =	shalt  }
0x73: {  	_ =	shalt  }
0x74: {  	_ =	shalt  }
0x75: {  	_ =	shalt  }
0x76: {  	_ =	shalt  }
0x77: {  	_ =	shalt  }
0x78: {  	_ =	shalt  }
0x79: {  	_ =	shalt  }
0x7a: {  	_ =	shalt  }
0x7b: {  	_ =	shalt  }
0x7c: {  	_ =	shalt  }
0x7d: {  	_ =	shalt  }
0x7e: {  	_ =	shalt  }
0x7f: {  	_ =	shalt  }
0x80: {  	_ =	shalt  }
0x81: {  	_ =	shalt  }
0x82: {  	_ =	shalt  }
0x83: {  	_ =	shalt  }
0x84: {  	_ =	shalt  }
0x85: {  	_ =	shalt  }
0x86: {  	_ =	shalt  }
0x87: {  	_ =	shalt  }
.Lfunc_end0:
.L_simem_size_0:
called_computation_lowered:
.L_overlay_start_0:
0x88: {  	s2 =	sld [smem:$0x3FD9]  }
0x89: {  	s3 =	sld [smem:$0x3FFE];
	_ =	sdelay $0x1  }
0x8a: {  	s1 =	srdreg.scid  }
0x8b: {  	s0 =	sand.u32 $0x1, s1  }
0x8c: {  	s14 =	sshll.u32 s0, $0xA;
	s2 =	sadd.s32 s3, s2  }
0x8d: {  	s2 =	sadd.s32 s2, s14  }
0x8e: {  	[smem:$0x3FC2] =	sst s2  }
0x8f: {  	_ = 	snop  }
0x90: {  	s2 =	sld [smem:$0x3FD0];
	_ =	sdelay $0x2  }
0x91: {  	s4 =	simm.s32 $0xA;
	s5 =	simm.s32 $0x10;
	s15 =	sld [smem:$0x3FC9]  }
0x92: {  	[smem:s5], [sflag:s4] =	dma.local [hbm:s2], $0x1  }
0x93: {  	_ =	swait.eq [sflag:s4], $0x1  }
0x94: {  	[sflag:s4] =	ssyncset.done $0x0  }
0x95: {  	[sflag:s4] =	ssyncadd.s32 $0xFFFFFFFF  }
0x96: {  	s16 =	sld [smem:$0x10];
	(tm) =	ssettm $0x1  }
0x97: {  	s17 =	sld [smem:$0x3FFB];
	_ =	sdelay $0x3  }
0x98: {  	_ =	strace s17  }
0x99: {  	s4 =	sld [smem:$0x3FFC];
	_ =	sdelay $0x3  }
0x9a: {  	_ =	strace s4  }
0x9b: {  	s4 =	sld [smem:$0x3FFD];
	_ =	sdelay $0x3  }
0x9c: {  	_ =	strace s4  }
0x9d: {  	_ =	strace $0x8FFFFFFF  }
0x9e: {  	s18 =	sld [smem:$0x3FDB];
	_ =	sdelay $0x1  }
0x9f: {  	s19 =	simm.s32 $_scs_section_size  }
0xa0: {  	s6 =	simm.s32 $_size__tile_overlayer_lowered;
	s7 =	simm.s32 $_tile_overlayer_lowered  }
0xa1: {  	s22 =	simm.s32 $0x1BFF;
	s21 =	sshll.u32 s7, $0x1;
	s4 =	sadd.s32 s19, s18  }
0xa2: {  	s8 =	simm.s32 $0x0;
	s20 =	sshll.u32 s6, $0x1;
	s6 =	sadd.s32 s21, s4  }
0xa3: {  	[timem:s8], [sflag:s22] =	dma.local [hbm:s6], s20  }
0xa4: {  	_ =	swait.ge [sflag:s22], s20  }
0xa5: {  	s5 =	ssub.s32 $0x0, s20;
	[sflag:s22] =	ssyncset.done $0x0  }
0xa6: {  	[sflag:s22] =	ssyncadd.s32 s5;
	_ =	sdelay $0x1  }
0xa7: {  	s23 =	simm.s32 $0x1B8B  }
0xa8: {  	_ =	swait.ge [sflag:s23], $0x1  }
0xa9: {  	[sflag:s23] =	ssyncset.done $0x0  }
0xaa: {  	s25 =	simm.s32 $0x1B8E;
	s24 =	sld [smem:$0x3FFE];
	[sflag:s23] =	ssyncadd.s32 $0xFFFFFFFF  }
0xab: {  	s26 =	simm.s32 $execute0_lowered;
	[smem:$0x3FD2] =	sst s25  }
0xac: {  	s6 =	sshll.u32 s26, $0x1;
	_ =	strace $0x80000046;
	[dreg:$0x1] =	wrdreg $0xFFFFFFFF  }
0xad: {  	s28 =	simm.s32 $_size_execute0_lowered;
	s4 =	sadd.s32 s4, s6;
	[dreg:$0x0] =	wrdreg $0x0  }
0xae: {  	s6 =	sshll.u32 s28, $0x1;
	[dreg:$0x2] =	wrdreg s4  }
0xaf: {  	[dreg:$0x3] =	wrdreg s6  }
0xb0: {  	[dreg:$0x4] =	wrdreg $0xC0  }
0xb1: {  	_ =	task [dreg:s8], $0x5FFFF  }
0xb2: {  	[dreg:$0x1] =	wrdreg $0xFFFFFFFF  }
0xb3: {  	[dreg:$0x0] =	wrdreg $0x60  }
0xb4: {  	[dreg:$0x2] =	wrdreg s15  }
0xb5: {  	[dreg:$0x3] =	wrdreg s24  }
0xb6: {  	[dreg:$0x4] =	wrdreg s16  }
0xb7: {  	[dreg:$0x5] =	wrdreg $0x9  }
0xb8: {  	_ =	task.clear_ibuf [dreg:s8], $0x6FFFF;
	_ =	strace $0x90000046  }
0xb9: {  	s29 =	simm.s32 $0x9;
	_ =	strace $0x80000048  }
0xba: {  	_ =	swait.ge [sflag:s29], $0x1  }
0xbb: {  	[sflag:s29] =	ssyncadd.s32 $0xFFFFFFFF  }
0xbc: {  	_ =	strace $0x90000048  }
0xbd: {  	_ =	sfence  }
0xbe: {  	s30 =	sld [smem:$0x0];
	_ =	sdelay $0x2  }
0xbf: {  	s31 =	sshll.u32 s1, $0xD;
	s1 =	sshrl.u32 s1, $0x2  }
0xc0: {  	s3 =	sand.u32 $0x4000, s31;
	s1 =	sadd.s32 s1, s30  }
0xc1: {  	s0 =	sor.u32 s3, s0;
	s1 =	sshll.u32 s1, $0x11  }
0xc2: {  	s0 =	sor.u32 s1, s0  }
0xc3: {  	s0 =	sadd.s32 $0x8F2B, s0  }
0xc4: {  	[sflag:s0] =	ssyncadd.remote.s32 $0x1  }
0xc5: {  	_ =	sfence.sel $0xFFFF  }
0xc6: {  	[dreg:$0x0] =	wrdreg $0xFFFFFFFF;
	(pc) =	sbr.abs _section_cstart, $3  }
0xc7: {  	[dreg:$0x1] =	wrdreg $0xFFFFFFFF  }
0xc8: {  	_ =	task.clear_ibuf [dreg:s8], $0x2FFFF;
	_ =	strace $0x9FFFFFFF  }
0xc9: {  	(tm) =	ssettm $0x7FFFFFFF  }
tec
execute0_lowered:
.L_overlay_start_1:
0x0: {  	(tag) =	ssettag $0x1  }
0x1: {  	s1 =	rddreg [dreg:$0x0]  }
0x2: {  	s5 =	rddreg [dreg:$0x1]  }
0x3: {  	s2 =	rddreg [dreg:$0x2]  }
0x4: {  	s4 =	srdreg.scid;
	s0 =	rddreg [dreg:$0x3];
	s3 =	simm.s32 $0x0  }
0x5: {  	s9 =	simm.s32 $0x800;
	s10 =	simm.s32 $0x1;
	s11 =	simm.s32 $0x4800  }
0x6: {  	s12 =	simm.s32 $0x2;
	s13 =	simm.s32 $0x0;
	s6 =	sand.u32 $0x1, s4  }
0x7: {  	[smem:$0x7FF] =	sst s3;
	s4 =	stileid.u32;
	s7 =	ssub.s32 $0x2, s6  }
0x8: {  	s5 =	sadd.s32 $0x1000, s5;
	_ =	strace $0x80000047;
	s8 =	sshrl.u32 s7, $0x1  }
0x9: {  	s31 =	sshll.u32 s4, $0x11;
	s6 =	sshll.u32 s6, $0x10;
	s7 =	ssub.s32 s7, s8  }
0xa: {  	s6 =	sor.u32 s6, s31;
	s8 =	simm.s32 $0x3;
	s7 =	smax.u32 s7, $0x1  }
.LBB2_1:
0xb: {  	[tilespmem:s3], [sflag:$0x3] =	stream.linear.gather [hbm4b:s5+s3], $0x800, $0x38;
	[tilespmem:$0x8800] =	vst v63  }
0xc: {  	_ =	swait.ge [sflag:s8], $0x800  }
0xd: {  	[sflag:s8] =	ssyncset.done $0x0  }
0xe: {  	s14 =	simm.s32 $0x0;
	[sflag:s8] =	ssyncadd.s32 $0xFFFFF800  }
.LBB2_2:
0xf: {  	s15 =	sshll.u32 s14, $0xB  }
0x10: {  	s15 =	sadd.s32 s6, s15  }
0x11: {  	s16 =	simm.s32 $0x0;
	s17 =	sadd.s32 s1, s15  }
0x12: {  	[tilespmem:s9], [sflag:$0x1] =	stream.linear.gather [hbm4b:s17+s16], $0x4000, $0x38;
	[tilespmem:$0x8800] =	vst v63  }
0x13: {  	_ =	swait.ge [sflag:s10], $0x4000  }
0x14: {  	[sflag:s10] =	ssyncset.done $0x0  }
0x15: {  	s17 =	simm.s32 $0x0;
	[sflag:s10] =	ssyncadd.s32 $0xFFFFC000  }
.LBB2_3:
0x16: {  	s18 =	sand.u32 $0x3800, s17;
	s19 =	sand.u32 $0x380, s16  }
0x17: {  	v1 =	vld [tilespmem:$0x0];
	s18 =	sor.u32 s19, s18  }
0x18: {  	v0 =	vld [tilespmem:s18+$0x800];
	_ =	sdelay $0x1  }
0x19: {  	v2 =	vld [tilespmem:$0x80];
	_ =	sdelay $0x2  }
0x1a: {  	v3 =	vsub.f32 v0, v1;
	_ =	sdelay $0x1  }
0x1b: {  	v2 =	vmul.f32 v2, v3;
	_ =	sdelay $0x1  }
0x1c: {  	v4 =	vmax.f32 v2, $0.0e+00  }
0x1d: {  	v4 =	vmin.f32 v4, $3.000000000e+01  }
0x1e: {  	v4 =	vtrunc.f32 v4  }
0x1f: {  	v4 =	vcvt.f32.s32 v4;
	_ =	sdelay $0x1  }
0x20: {  	v4 =	vcvt.s32.f32 v4;
	_ =	sdelay $0x1  }
0x21: {  	v2 =	vsub.f32 v2, v4;
	_ =	sdelay $0x1  }
0x22: {  	v2 =	vmax.f32 v2, $0.0e+00  }
0x23: {  	v5 =	vld [tilespmem:$0x100];
	v2 =	vmin.f32 v2, $1.000000000e+00  }
0x24: {  	v6 =	vld [tilespmem:$0x180];
	v7 =	vsub.f32 $1.000000000e+00, v2  }
0x25: {  	v8 =	vld [tilespmem:$0x200]  }
0x26: {  	v9 =	vmul.f32 v2, v2;
	v2 =	vmul.f32 v7, v2  }
0x27: {  	v63 =	vld [tilespmem:$0x280]  }
0x28: {  	v4 =	vmul.f32 v4, v5;
	v2 =	vadd.f32 v2, v9;
	_ =	sdelay $0x1  }
0x29: {  	v4 =	vadd.f32 v4, v6;
	v9 =	vsub.f32 v0, v8;
	v2 =	vmul.f32 v2, v5;
	_ =	sdelay $0x1  }
0x2a: {  	v10 =	vadd.f32 v9, v63;
	v2 =	vadd.f32 v2, v4  }
0x2b: {  	vm0 =	vgt.f32 v0, v8;
	v3 =	vadd.f32 v6, v3  }
0x2c: {  	vm1 =	vle.f32 v0, v1;
	v11 =	vsel vm0, v10, v2  }
0x2d: {  	v0 =	vsel vm1, v3, v11  }
0x2e: {  	v12 =	vld [tilespmem:s18+$0x810];
	[tilespmem:s18+$0x4800] =	vst v0  }
0x2f: {  	v13 =	vld [tilespmem:$0x10];
	_ =	sdelay $0x1  }
0x30: {  	v14 =	vld [tilespmem:$0x90];
	_ =	sdelay $0x2  }
0x31: {  	v15 =	vsub.f32 v12, v13;
	_ =	sdelay $0x1  }
0x32: {  	v2 =	vmul.f32 v14, v15;
	_ =	sdelay $0x1  }
0x33: {  	v16 =	vmax.f32 v2, $0.0e+00  }
0x34: {  	v4 =	vmin.f32 v16, $3.000000000e+01  }
0x35: {  	v4 =	vtrunc.f32 v4  }
0x36: {  	v4 =	vcvt.f32.s32 v4;
	_ =	sdelay $0x1  }
0x37: {  	v4 =	vcvt.s32.f32 v4;
	_ =	sdelay $0x1  }
0x38: {  	v2 =	vsub.f32 v2, v4;
	_ =	sdelay $0x1  }
0x39: {  	v2 =	vmax.f32 v2, $0.0e+00  }
0x3a: {  	v17 =	vld [tilespmem:$0x110];
	v2 =	vmin.f32 v2, $1.000000000e+00  }
0x3b: {  	v18 =	vld [tilespmem:$0x190];
	v19 =	vsub.f32 $1.000000000e+00, v2  }
0x3c: {  	v20 =	vld [tilespmem:$0x210]  }
0x3d: {  	v21 =	vmul.f32 v2, v2;
	v2 =	vmul.f32 v19, v2  }
0x3e: {  	v22 =	vld [tilespmem:$0x290]  }
0x3f: {  	v4 =	vmul.f32 v4, v17;
	v2 =	vadd.f32 v2, v21;
	_ =	sdelay $0x1  }
0x40: {  	v23 =	vsub.f32 v12, v20;
	v4 =	vadd.f32 v4, v18;
	v2 =	vmul.f32 v2, v17;
	_ =	sdelay $0x1  }
0x41: {  	v24 =	vadd.f32 v23, v22;
	v2 =	vadd.f32 v2, v4  }
0x42: {  	vm10 =	vgt.f32 v12, v20;
	v3 =	vadd.f32 v18, v15  }
0x43: {  	vm11 =	vle.f32 v12, v13;
	v25 =	vsel vm10, v24, v2  }
0x44: {  	v0 =	vsel vm11, v3, v25  }
0x45: {  	v26 =	vld [tilespmem:s18+$0x820];
	[tilespmem:s18+$0x4810] =	vst v0  }
0x46: {  	v27 =	vld [tilespmem:$0x20];
	_ =	sdelay $0x1  }
0x47: {  	v28 =	vld [tilespmem:$0xA0];
	_ =	sdelay $0x2  }
0x48: {  	v29 =	vsub.f32 v26, v27;
	_ =	sdelay $0x1  }
0x49: {  	v2 =	vmul.f32 v28, v29;
	_ =	sdelay $0x1  }
0x4a: {  	v30 =	vmax.f32 v2, $0.0e+00  }
0x4b: {  	v4 =	vmin.f32 v30, $3.000000000e+01  }
0x4c: {  	v4 =	vtrunc.f32 v4  }
0x4d: {  	v4 =	vcvt.f32.s32 v4;
	_ =	sdelay $0x1  }
0x4e: {  	v4 =	vcvt.s32.f32 v4;
	_ =	sdelay $0x1  }
0x4f: {  	v2 =	vsub.f32 v2, v4;
	_ =	sdelay $0x1  }
0x50: {  	v2 =	vmax.f32 v2, $0.0e+00  }
0x51: {  	v31 =	vld [tilespmem:$0x120];
	v2 =	vmin.f32 v2, $1.000000000e+00  }
0x52: {  	v32 =	vld [tilespmem:$0x1A0];
	v33 =	vsub.f32 $1.000000000e+00, v2  }
0x53: {  	v34 =	vld [tilespmem:$0x220]  }
0x54: {  	v35 =	vmul.f32 v2, v2;
	v2 =	vmul.f32 v33, v2  }
0x55: {  	v36 =	vld [tilespmem:$0x2A0]  }
0x56: {  	v4 =	vmul.f32 v4, v31;
	v2 =	vadd.f32 v2, v35;
	_ =	sdelay $0x1  }
0x57: {  	v37 =	vsub.f32 v26, v34;
	v4 =	vadd.f32 v4, v32;
	v2 =	vmul.f32 v2, v31;
	_ =	sdelay $0x1  }
0x58: {  	v38 =	vadd.f32 v37, v36;
	v2 =	vadd.f32 v2, v4  }
0x59: {  	vm12 =	vgt.f32 v26, v34;
	v3 =	vadd.f32 v32, v29  }
0x5a: {  	vm13 =	vle.f32 v26, v27;
	v39 =	vsel vm12, v38, v2  }
0x5b: {  	v0 =	vsel vm13, v3, v39  }
0x5c: {  	v40 =	vld [tilespmem:s18+$0x830];
	[tilespmem:s18+$0x4820] =	vst v0  }
0x5d: {  	v41 =	vld [tilespmem:$0x30];
	_ =	sdelay $0x1  }
0x5e: {  	v42 =	vld [tilespmem:$0xB0];
	_ =	sdelay $0x2  }
0x5f: {  	v43 =	vsub.f32 v40, v41;
	_ =	sdelay $0x1  }
0x60: {  	v2 =	vmul.f32 v42, v43;
	_ =	sdelay $0x1  }
0x61: {  	v44 =	vmax.f32 v2, $0.0e+00  }
0x62: {  	v4 =	vmin.f32 v44, $3.000000000e+01  }
0x63: {  	v4 =	vtrunc.f32 v4  }
0x64: {  	v4 =	vcvt.f32.s32 v4;
	_ =	sdelay $0x1  }
0x65: {  	v4 =	vcvt.s32.f32 v4;
	_ =	sdelay $0x1  }
0x66: {  	v2 =	vsub.f32 v2, v4;
	_ =	sdelay $0x1  }
0x67: {  	v2 =	vmax.f32 v2, $0.0e+00  }
0x68: {  	v45 =	vld [tilespmem:$0x130];
	v2 =	vmin.f32 v2, $1.000000000e+00  }
0x69: {  	v46 =	vld [tilespmem:$0x1B0];
	v47 =	vsub.f32 $1.000000000e+00, v2  }
0x6a: {  	v48 =	vld [tilespmem:$0x230]  }
0x6b: {  	v49 =	vmul.f32 v2, v2;
	v2 =	vmul.f32 v47, v2  }
0x6c: {  	v50 =	vld [tilespmem:$0x2B0]  }
0x6d: {  	v4 =	vmul.f32 v4, v45;
	v2 =	vadd.f32 v2, v49;
	_ =	sdelay $0x1  }
0x6e: {  	v51 =	vsub.f32 v40, v48;
	v4 =	vadd.f32 v4, v46;
	v2 =	vmul.f32 v2, v45;
	_ =	sdelay $0x1  }
0x6f: {  	v52 =	vadd.f32 v51, v50;
	v2 =	vadd.f32 v2, v4  }
0x70: {  	vm14 =	vgt.f32 v40, v48;
	v3 =	vadd.f32 v46, v43  }
0x71: {  	vm15 =	vle.f32 v40, v41;
	v53 =	vsel vm14, v52, v2  }
0x72: {  	v0 =	vsel vm15, v3, v53  }
0x73: {  	v54 =	vld [tilespmem:s18+$0x840];
	[tilespmem:s18+$0x4830] =	vst v0  }
0x74: {  	v55 =	vld [tilespmem:$0x40];
	_ =	sdelay $0x1  }
0x75: {  	v56 =	vld [tilespmem:$0xC0];
	_ =	sdelay $0x2  }
0x76: {  	v57 =	vsub.f32 v54, v55;
	_ =	sdelay $0x1  }
0x77: {  	v2 =	vmul.f32 v56, v57;
	_ =	sdelay $0x1  }
0x78: {  	v58 =	vmax.f32 v2, $0.0e+00  }
0x79: {  	v4 =	vmin.f32 v58, $3.000000000e+01  }
0x7a: {  	v4 =	vtrunc.f32 v4  }
0x7b: {  	v4 =	vcvt.f32.s32 v4;
	_ =	sdelay $0x1  }
0x7c: {  	v4 =	vcvt.s32.f32 v4;
	_ =	sdelay $0x1  }
0x7d: {  	v2 =	vsub.f32 v2, v4;
	_ =	sdelay $0x1  }
0x7e: {  	v2 =	vmax.f32 v2, $0.0e+00  }
0x7f: {  	v59 =	vld [tilespmem:$0x140];
	v2 =	vmin.f32 v2, $1.000000000e+00  }
0x80: {  	v60 =	vld [tilespmem:$0x1C0];
	v61 =	vsub.f32 $1.000000000e+00, v2  }
0x81: {  	v62 =	vld [tilespmem:$0x240]  }
0x82: {  	v63 =	vmul.f32 v2, v2;
	v2 =	vmul.f32 v61, v2  }
0x83: {  	v10 =	vld [tilespmem:$0x2C0]  }
0x84: {  	v4 =	vmul.f32 v4, v59;
	v2 =	vadd.f32 v2, v63;
	_ =	sdelay $0x1  }
0x85: {  	v11 =	vsub.f32 v54, v62;
	v4 =	vadd.f32 v4, v60;
	v2 =	vmul.f32 v2, v59;
	_ =	sdelay $0x1  }
0x86: {  	v12 =	vadd.f32 v11, v10;
	v2 =	vadd.f32 v2, v4  }
0x87: {  	vm4 =	vgt.f32 v54, v62;
	v3 =	vadd.f32 v60, v57  }
0x88: {  	vm5 =	vle.f32 v54, v55;
	v13 =	vsel vm4, v12, v2  }
0x89: {  	v0 =	vsel vm5, v3, v13  }
0x8a: {  	v14 =	vld [tilespmem:s18+$0x850];
	[tilespmem:s18+$0x4840] =	vst v0  }
0x8b: {  	v15 =	vld [tilespmem:$0x50];
	_ =	sdelay $0x1  }
0x8c: {  	v16 =	vld [tilespmem:$0xD0];
	_ =	sdelay $0x2  }
0x8d: {  	v17 =	vsub.f32 v14, v15;
	_ =	sdelay $0x1  }
0x8e: {  	v2 =	vmul.f32 v16, v17;
	_ =	sdelay $0x1  }
0x8f: {  	v18 =	vmax.f32 v2, $0.0e+00  }
0x90: {  	v4 =	vmin.f32 v18, $3.000000000e+01  }
0x91: {  	v4 =	vtrunc.f32 v4  }
0x92: {  	v4 =	vcvt.f32.s32 v4;
	_ =	sdelay $0x1  }
0x93: {  	v4 =	vcvt.s32.f32 v4;
	_ =	sdelay $0x1  }
0x94: {  	v2 =	vsub.f32 v2, v4;
	_ =	sdelay $0x1  }
0x95: {  	v2 =	vmax.f32 v2, $0.0e+00  }
0x96: {  	v19 =	vld [tilespmem:$0x150];
	v2 =	vmin.f32 v2, $1.000000000e+00  }
0x97: {  	v20 =	vld [tilespmem:$0x1D0];
	v21 =	vsub.f32 $1.000000000e+00, v2  }
0x98: {  	v22 =	vld [tilespmem:$0x250]  }
0x99: {  	v23 =	vmul.f32 v2, v2;
	v2 =	vmul.f32 v21, v2  }
0x9a: {  	v24 =	vld [tilespmem:$0x2D0]  }
0x9b: {  	v4 =	vmul.f32 v4, v19;
	v2 =	vadd.f32 v2, v23;
	_ =	sdelay $0x1  }
0x9c: {  	v25 =	vsub.f32 v14, v22;
	v4 =	vadd.f32 v4, v20;
	v2 =	vmul.f32 v2, v19;
	_ =	sdelay $0x1  }
0x9d: {  	v26 =	vadd.f32 v25, v24;
	v2 =	vadd.f32 v2, v4  }
0x9e: {  	vm6 =	vgt.f32 v14, v22;
	v3 =	vadd.f32 v20, v17  }
0x9f: {  	vm7 =	vle.f32 v14, v15;
	v27 =	vsel vm6, v26, v2  }
0xa0: {  	v0 =	vsel vm7, v3, v27  }
0xa1: {  	v28 =	vld [tilespmem:s18+$0x860];
	[tilespmem:s18+$0x4850] =	vst v0  }
0xa2: {  	v29 =	vld [tilespmem:$0x60];
	_ =	sdelay $0x1  }
0xa3: {  	v30 =	vld [tilespmem:$0xE0];
	_ =	sdelay $0x2  }
0xa4: {  	v31 =	vsub.f32 v28, v29;
	_ =	sdelay $0x1  }
0xa5: {  	v2 =	vmul.f32 v30, v31;
	_ =	sdelay $0x1  }
0xa6: {  	v32 =	vmax.f32 v2, $0.0e+00  }
0xa7: {  	v4 =	vmin.f32 v32, $3.000000000e+01  }
0xa8: {  	v4 =	vtrunc.f32 v4  }
0xa9: {  	v4 =	vcvt.f32.s32 v4;
	_ =	sdelay $0x1  }
0xaa: {  	v4 =	vcvt.s32.f32 v4;
	_ =	sdelay $0x1  }
0xab: {  	v2 =	vsub.f32 v2, v4;
	_ =	sdelay $0x1  }
0xac: {  	v2 =	vmax.f32 v2, $0.0e+00  }
0xad: {  	v33 =	vld [tilespmem:$0x160];
	v2 =	vmin.f32 v2, $1.000000000e+00  }
0xae: {  	v34 =	vld [tilespmem:$0x1E0];
	v35 =	vsub.f32 $1.000000000e+00, v2  }
0xaf: {  	v36 =	vld [tilespmem:$0x260]  }
0xb0: {  	v37 =	vmul.f32 v2, v2;
	v2 =	vmul.f32 v35, v2  }
0xb1: {  	v38 =	vld [tilespmem:$0x2E0]  }
0xb2: {  	v4 =	vmul.f32 v4, v33;
	v2 =	vadd.f32 v2, v37;
	_ =	sdelay $0x1  }
0xb3: {  	v39 =	vsub.f32 v28, v36;
	v4 =	vadd.f32 v4, v34;
	v2 =	vmul.f32 v2, v33;
	_ =	sdelay $0x1  }
0xb4: {  	v40 =	vadd.f32 v39, v38;
	v2 =	vadd.f32 v2, v4  }
0xb5: {  	vm8 =	vgt.f32 v28, v36;
	v3 =	vadd.f32 v34, v31  }
0xb6: {  	vm9 =	vle.f32 v28, v29;
	v41 =	vsel vm8, v40, v2  }
0xb7: {  	v0 =	vsel vm9, v3, v41  }
0xb8: {  	v42 =	vld [tilespmem:s18+$0x870];
	[tilespmem:s18+$0x4860] =	vst v0  }
0xb9: {  	v43 =	vld [tilespmem:$0x70];
	_ =	sdelay $0x1  }
0xba: {  	v44 =	vld [tilespmem:$0xF0];
	_ =	sdelay $0x2  }
0xbb: {  	v45 =	vsub.f32 v42, v43;
	_ =	sdelay $0x1  }
0xbc: {  	v2 =	vmul.f32 v44, v45;
	_ =	sdelay $0x1  }
0xbd: {  	v46 =	vmax.f32 v2, $0.0e+00  }
0xbe: {  	v4 =	vmin.f32 v46, $3.000000000e+01  }
0xbf: {  	v4 =	vtrunc.f32 v4  }
0xc0: {  	v4 =	vcvt.f32.s32 v4;
	_ =	sdelay $0x1  }
0xc1: {  	v4 =	vcvt.s32.f32 v4;
	_ =	sdelay $0x1  }
0xc2: {  	v2 =	vsub.f32 v2, v4;
	_ =	sdelay $0x1  }
0xc3: {  	v2 =	vmax.f32 v2, $0.0e+00  }
0xc4: {  	v47 =	vld [tilespmem:$0x170];
	v2 =	vmin.f32 v2, $1.000000000e+00  }
0xc5: {  	v48 =	vld [tilespmem:$0x1F0];
	v49 =	vsub.f32 $1.000000000e+00, v2  }
0xc6: {  	v50 =	vld [tilespmem:$0x270]  }
0xc7: {  	v51 =	vmul.f32 v2, v2;
	v2 =	vmul.f32 v49, v2  }
0xc8: {  	v52 =	vld [tilespmem:$0x2F0]  }
0xc9: {  	v4 =	vmul.f32 v4, v47;
	v2 =	vadd.f32 v2, v51;
	_ =	sdelay $0x1  }
0xca: {  	v53 =	vsub.f32 v42, v50;
	v4 =	vadd.f32 v4, v48;
	v2 =	vmul.f32 v2, v47;
	_ =	sdelay $0x1  }
0xcb: {  	v54 =	vadd.f32 v53, v52;
	v2 =	vadd.f32 v2, v4  }
0xcc: {  	vm10 =	vgt.f32 v42, v50;
	v3 =	vadd.f32 v48, v45  }
0xcd: {  	vm11 =	vle.f32 v42, v43;
	v55 =	vsel vm10, v54, v2  }
0xce: {  	v0 =	vsel vm11, v3, v55  }
0xcf: {  	v56 =	vld [tilespmem:s18+$0xC00];
	[tilespmem:s18+$0x4870] =	vst v0  }
0xd0: {  	v57 =	vld [tilespmem:$0x400];
	_ =	sdelay $0x1  }
0xd1: {  	v58 =	vld [tilespmem:$0x480];
	_ =	sdelay $0x2  }
0xd2: {  	v59 =	vsub.f32 v56, v57;
	_ =	sdelay $0x1  }
0xd3: {  	v2 =	vmul.f32 v58, v59;
	_ =	sdelay $0x1  }
0xd4: {  	v60 =	vmax.f32 v2, $0.0e+00  }
0xd5: {  	v4 =	vmin.f32 v60, $3.000000000e+01  }
0xd6: {  	v4 =	vtrunc.f32 v4  }
0xd7: {  	v4 =	vcvt.f32.s32 v4;
	_ =	sdelay $0x1  }
0xd8: {  	v4 =	vcvt.s32.f32 v4;
	_ =	sdelay $0x1  }
0xd9: {  	v2 =	vsub.f32 v2, v4;
	_ =	sdelay $0x1  }
0xda: {  	v2 =	vmax.f32 v2, $0.0e+00  }
0xdb: {  	v61 =	vld [tilespmem:$0x500];
	v2 =	vmin.f32 v2, $1.000000000e+00  }
0xdc: {  	v62 =	vld [tilespmem:$0x580];
	v63 =	vsub.f32 $1.000000000e+00, v2  }
0xdd: {  	v12 =	vld [tilespmem:$0x600]  }
0xde: {  	v13 =	vmul.f32 v2, v2;
	v2 =	vmul.f32 v63, v2  }
0xdf: {  	v14 =	vld [tilespmem:$0x680]  }
0xe0: {  	v4 =	vmul.f32 v4, v61;
	v2 =	vadd.f32 v2, v13;
	_ =	sdelay $0x1  }
0xe1: {  	v15 =	vsub.f32 v56, v12;
	v4 =	vadd.f32 v4, v62;
	v2 =	vmul.f32 v2, v61;
	_ =	sdelay $0x1  }
0xe2: {  	v16 =	vadd.f32 v15, v14;
	v2 =	vadd.f32 v2, v4  }
0xe3: {  	vm12 =	vgt.f32 v56, v12;
	v3 =	vadd.f32 v62, v59  }
0xe4: {  	vm13 =	vle.f32 v56, v57;
	v17 =	vsel vm12, v16, v2  }
0xe5: {  	v0 =	vsel vm13, v3, v17  }
0xe6: {  	v18 =	vld [tilespmem:s18+$0xC10];
	[tilespmem:s18+$0x4C00] =	vst v0  }
0xe7: {  	v19 =	vld [tilespmem:$0x410];
	_ =	sdelay $0x1  }
0xe8: {  	v20 =	vld [tilespmem:$0x490];
	_ =	sdelay $0x2  }
0xe9: {  	v21 =	vsub.f32 v18, v19;
	_ =	sdelay $0x1  }
0xea: {  	v2 =	vmul.f32 v20, v21;
	_ =	sdelay $0x1  }
0xeb: {  	v22 =	vmax.f32 v2, $0.0e+00  }
0xec: {  	v4 =	vmin.f32 v22, $3.000000000e+01  }
0xed: {  	v4 =	vtrunc.f32 v4  }
0xee: {  	v4 =	vcvt.f32.s32 v4;
	_ =	sdelay $0x1  }
0xef: {  	v4 =	vcvt.s32.f32 v4;
	_ =	sdelay $0x1  }
0xf0: {  	v2 =	vsub.f32 v2, v4;
	_ =	sdelay $0x1  }
0xf1: {  	v2 =	vmax.f32 v2, $0.0e+00  }
0xf2: {  	v23 =	vld [tilespmem:$0x510];
	v2 =	vmin.f32 v2, $1.000000000e+00  }
0xf3: {  	v24 =	vld [tilespmem:$0x590];
	v25 =	vsub.f32 $1.000000000e+00, v2  }
0xf4: {  	v26 =	vld [tilespmem:$0x610]  }
0xf5: {  	v27 =	vmul.f32 v2, v2;
	v2 =	vmul.f32 v25, v2  }
0xf6: {  	v28 =	vld [tilespmem:$0x690]  }
0xf7: {  	v4 =	vmul.f32 v4, v23;
	v2 =	vadd.f32 v2, v27;
	_ =	sdelay $0x1  }
0xf8: {  	v29 =	vsub.f32 v18, v26;
	v4 =	vadd.f32 v4, v24;
	v2 =	vmul.f32 v2, v23;
	_ =	sdelay $0x1  }
0xf9: {  	v30 =	vadd.f32 v29, v28;
	v2 =	vadd.f32 v2, v4  }
0xfa: {  	vm14 =	vgt.f32 v18, v26;
	v3 =	vadd.f32 v24, v21  }
0xfb: {  	vm15 =	vle.f32 v18, v19;
	v31 =	vsel vm14, v30, v2  }
0xfc: {  	v0 =	vsel vm15, v3, v31  }
0xfd: {  	v32 =	vld [tilespmem:s18+$0xC20];
	[tilespmem:s18+$0x4C10] =	vst v0  }
0xfe: {  	v33 =	vld [tilespmem:$0x420];
	_ =	sdelay $0x1  }
0xff: {  	v34 =	vld [tilespmem:$0x4A0];
	_ =	sdelay $0x2  }
0x100: {  	v35 =	vsub.f32 v32, v33;
	_ =	sdelay $0x1  }
0x101: {  	v2 =	vmul.f32 v34, v35;
	_ =	sdelay $0x1  }
0x102: {  	v36 =	vmax.f32 v2, $0.0e+00  }
0x103: {  	v4 =	vmin.f32 v36, $3.000000000e+01  }
0x104: {  	v4 =	vtrunc.f32 v4  }
0x105: {  	v4 =	vcvt.f32.s32 v4;
	_ =	sdelay $0x1  }
0x106: {  	v4 =	vcvt.s32.f32 v4;
	_ =	sdelay $0x1  }
0x107: {  	v2 =	vsub.f32 v2, v4;
	_ =	sdelay $0x1  }
0x108: {  	v2 =	vmax.f32 v2, $0.0e+00  }
0x109: {  	v37 =	vld [tilespmem:$0x520];
	v2 =	vmin.f32 v2, $1.000000000e+00  }
0x10a: {  	v38 =	vld [tilespmem:$0x5A0];
	v39 =	vsub.f32 $1.000000000e+00, v2  }
0x10b: {  	v40 =	vld [tilespmem:$0x620]  }
0x10c: {  	v41 =	vmul.f32 v2, v2;
	v2 =	vmul.f32 v39, v2  }
0x10d: {  	v42 =	vld [tilespmem:$0x6A0]  }
0x10e: {  	v4 =	vmul.f32 v4, v37;
	v2 =	vadd.f32 v2, v41;
	_ =	sdelay $0x1  }
0x10f: {  	v43 =	vsub.f32 v32, v40;
	v4 =	vadd.f32 v4, v38;
	v2 =	vmul.f32 v2, v37;
	_ =	sdelay $0x1  }
0x110: {  	v44 =	vadd.f32 v43, v42;
	v2 =	vadd.f32 v2, v4  }
0x111: {  	vm4 =	vgt.f32 v32, v40;
	v3 =	vadd.f32 v38, v35  }
0x112: {  	vm5 =	vle.f32 v32, v33;
	v45 =	vsel vm4, v44, v2  }
0x113: {  	v0 =	vsel vm5, v3, v45  }
0x114: {  	v46 =	vld [tilespmem:s18+$0xC30];
	[tilespmem:s18+$0x4C20] =	vst v0  }
0x115: {  	v47 =	vld [tilespmem:$0x430];
	_ =	sdelay $0x1  }
0x116: {  	v48 =	vld [tilespmem:$0x4B0];
	_ =	sdelay $0x2  }
0x117: {  	v49 =	vsub.f32 v46, v47;
	_ =	sdelay $0x1  }
0x118: {  	v2 =	vmul.f32 v48, v49;
	_ =	sdelay $0x1  }
0x119: {  	v50 =	vmax.f32 v2, $0.0e+00  }
0x11a: {  	v4 =	vmin.f32 v50, $3.000000000e+01  }
0x11b: {  	v4 =	vtrunc.f32 v4  }
0x11c: {  	v4 =	vcvt.f32.s32 v4;
	_ =	sdelay $0x1  }
0x11d: {  	v4 =	vcvt.s32.f32 v4;
	_ =	sdelay $0x1  }
0x11e: {  	v2 =	vsub.f32 v2, v4;
	_ =	sdelay $0x1  }
0x11f: {  	v2 =	vmax.f32 v2, $0.0e+00  }
0x120: {  	v51 =	vld [tilespmem:$0x530];
	v2 =	vmin.f32 v2, $1.000000000e+00  }
0x121: {  	v52 =	vld [tilespmem:$0x5B0];
	v53 =	vsub.f32 $1.000000000e+00, v2  }
0x122: {  	v54 =	vld [tilespmem:$0x630]  }
0x123: {  	v55 =	vmul.f32 v2, v2;
	v2 =	vmul.f32 v53, v2  }
0x124: {  	v56 =	vld [tilespmem:$0x6B0]  }
0x125: {  	v4 =	vmul.f32 v4, v51;
	v2 =	vadd.f32 v2, v55;
	_ =	sdelay $0x1  }
0x126: {  	v57 =	vsub.f32 v46, v54;
	v4 =	vadd.f32 v4, v52;
	v2 =	vmul.f32 v2, v51;
	_ =	sdelay $0x1  }
0x127: {  	v58 =	vadd.f32 v57, v56;
	v2 =	vadd.f32 v2, v4  }
0x128: {  	vm6 =	vgt.f32 v46, v54;
	v3 =	vadd.f32 v52, v49  }
0x129: {  	vm7 =	vle.f32 v46, v47;
	v59 =	vsel vm6, v58, v2  }
0x12a: {  	v0 =	vsel vm7, v3, v59  }
0x12b: {  	v60 =	vld [tilespmem:s18+$0xC40];
	[tilespmem:s18+$0x4C30] =	vst v0  }
0x12c: {  	v61 =	vld [tilespmem:$0x440];
	_ =	sdelay $0x1  }
0x12d: {  	v62 =	vld [tilespmem:$0x4C0];
	_ =	sdelay $0x2  }
0x12e: {  	v63 =	vsub.f32 v60, v61;
	_ =	sdelay $0x1  }
0x12f: {  	v2 =	vmul.f32 v62, v63;
	_ =	sdelay $0x1  }
0x130: {  	v12 =	vmax.f32 v2, $0.0e+00  }
0x131: {  	v4 =	vmin.f32 v12, $3.000000000e+01  }
0x132: {  	v4 =	vtrunc.f32 v4  }
0x133: {  	v4 =	vcvt.f32.s32 v4;
	_ =	sdelay $0x1  }
0x134: {  	v4 =	vcvt.s32.f32 v4;
	_ =	sdelay $0x1  }
0x135: {  	v2 =	vsub.f32 v2, v4;
	_ =	sdelay $0x1  }
0x136: {  	v2 =	vmax.f32 v2, $0.0e+00  }
0x137: {  	v13 =	vld [tilespmem:$0x540];
	v2 =	vmin.f32 v2, $1.000000000e+00  }
0x138: {  	v14 =	vld [tilespmem:$0x5C0];
	v15 =	vsub.f32 $1.000000000e+00, v2  }
0x139: {  	v16 =	vld [tilespmem:$0x640]  }
0x13a: {  	v17 =	vmul.f32 v2, v2;
	v2 =	vmul.f32 v15, v2  }
0x13b: {  	v18 =	vld [tilespmem:$0x6C0]  }
0x13c: {  	v4 =	vmul.f32 v4, v13;
	v2 =	vadd.f32 v2, v17;
	_ =	sdelay $0x1  }
0x13d: {  	v19 =	vsub.f32 v60, v16;
	v4 =	vadd.f32 v4, v14;
	v2 =	vmul.f32 v2, v13;
	_ =	sdelay $0x1  }
0x13e: {  	v20 =	vadd.f32 v19, v18;
	v2 =	vadd.f32 v2, v4  }
0x13f: {  	vm8 =	vgt.f32 v60, v16;
	v3 =	vadd.f32 v14, v63  }
0x140: {  	vm9 =	vle.f32 v60, v61;
	v21 =	vsel vm8, v20, v2  }
0x141: {  	v0 =	vsel vm9, v3, v21  }
0x142: {  	v22 =	vld [tilespmem:s18+$0xC50];
	[tilespmem:s18+$0x4C40] =	vst v0  }
0x143: {  	v23 =	vld [tilespmem:$0x450];
	_ =	sdelay $0x1  }
0x144: {  	v24 =	vld [tilespmem:$0x4D0];
	_ =	sdelay $0x2  }
0x145: {  	v25 =	vsub.f32 v22, v23;
	_ =	sdelay $0x1  }
0x146: {  	v2 =	vmul.f32 v24, v25;
	_ =	sdelay $0x1  }
0x147: {  	v26 =	vmax.f32 v2, $0.0e+00  }
0x148: {  	v4 =	vmin.f32 v26, $3.000000000e+01  }
0x149: {  	v4 =	vtrunc.f32 v4  }
0x14a: {  	v4 =	vcvt.f32.s32 v4;
	_ =	sdelay $0x1  }
0x14b: {  	v4 =	vcvt.s32.f32 v4;
	_ =	sdelay $0x1  }
0x14c: {  	v2 =	vsub.f32 v2, v4;
	_ =	sdelay $0x1  }
0x14d: {  	v2 =	vmax.f32 v2, $0.0e+00  }
0x14e: {  	v27 =	vld [tilespmem:$0x550];
	v2 =	vmin.f32 v2, $1.000000000e+00  }
0x14f: {  	v28 =	vld [tilespmem:$0x5D0];
	v29 =	vsub.f32 $1.000000000e+00, v2  }
0x150: {  	v30 =	vld [tilespmem:$0x650]  }
0x151: {  	v31 =	vmul.f32 v2, v2;
	v2 =	vmul.f32 v29, v2  }
0x152: {  	v32 =	vld [tilespmem:$0x6D0]  }
0x153: {  	v4 =	vmul.f32 v4, v27;
	v2 =	vadd.f32 v2, v31;
	_ =	sdelay $0x1  }
0x154: {  	v33 =	vsub.f32 v22, v30;
	v4 =	vadd.f32 v4, v28;
	v2 =	vmul.f32 v2, v27;
	_ =	sdelay $0x1  }
0x155: {  	v34 =	vadd.f32 v33, v32;
	v2 =	vadd.f32 v2, v4  }
0x156: {  	vm10 =	vgt.f32 v22, v30;
	v3 =	vadd.f32 v28, v25  }
0x157: {  	vm11 =	vle.f32 v22, v23;
	v35 =	vsel vm10, v34, v2  }
0x158: {  	v0 =	vsel vm11, v3, v35  }
0x159: {  	v36 =	vld [tilespmem:s18+$0xC60];
	[tilespmem:s18+$0x4C50] =	vst v0  }
0x15a: {  	v37 =	vld [tilespmem:$0x460];
	_ =	sdelay $0x1  }
0x15b: {  	v38 =	vld [tilespmem:$0x4E0];
	_ =	sdelay $0x2  }
0x15c: {  	v39 =	vsub.f32 v36, v37;
	_ =	sdelay $0x1  }
0x15d: {  	v2 =	vmul.f32 v38, v39;
	_ =	sdelay $0x1  }
0x15e: {  	v40 =	vmax.f32 v2, $0.0e+00  }
0x15f: {  	v4 =	vmin.f32 v40, $3.000000000e+01  }
0x160: {  	v4 =	vtrunc.f32 v4  }
0x161: {  	v4 =	vcvt.f32.s32 v4;
	_ =	sdelay $0x1  }
0x162: {  	v4 =	vcvt.s32.f32 v4;
	_ =	sdelay $0x1  }
0x163: {  	v2 =	vsub.f32 v2, v4;
	_ =	sdelay $0x1  }
0x164: {  	v2 =	vmax.f32 v2, $0.0e+00  }
0x165: {  	v41 =	vld [tilespmem:$0x560];
	v2 =	vmin.f32 v2, $1.000000000e+00  }
0x166: {  	v42 =	vld [tilespmem:$0x5E0];
	v43 =	vsub.f32 $1.000000000e+00, v2  }
0x167: {  	v44 =	vld [tilespmem:$0x660]  }
0x168: {  	v45 =	vmul.f32 v2, v2;
	v2 =	vmul.f32 v43, v2  }
0x169: {  	v46 =	vld [tilespmem:$0x6E0]  }
0x16a: {  	v4 =	vmul.f32 v4, v41;
	v2 =	vadd.f32 v2, v45;
	_ =	sdelay $0x1  }
0x16b: {  	v47 =	vsub.f32 v36, v44;
	v4 =	vadd.f32 v4, v42;
	v2 =	vmul.f32 v2, v41;
	_ =	sdelay $0x1  }
0x16c: {  	v48 =	vadd.f32 v47, v46;
	v2 =	vadd.f32 v2, v4  }
0x16d: {  	vm12 =	vgt.f32 v36, v44;
	v3 =	vadd.f32 v42, v39  }
0x16e: {  	vm13 =	vle.f32 v36, v37;
	v49 =	vsel vm12, v48, v2  }
0x16f: {  	v0 =	vsel vm13, v3, v49  }
0x170: {  	v50 =	vld [tilespmem:s18+$0xC70];
	[tilespmem:s18+$0x4C60] =	vst v0  }
0x171: {  	v51 =	vld [tilespmem:$0x470];
	_ =	sdelay $0x1  }
0x172: {  	v52 =	vld [tilespmem:$0x4F0];
	_ =	sdelay $0x2  }
0x173: {  	v53 =	vsub.f32 v50, v51;
	_ =	sdelay $0x1  }
0x174: {  	v2 =	vmul.f32 v52, v53;
	_ =	sdelay $0x1  }
0x175: {  	v54 =	vmax.f32 v2, $0.0e+00  }
0x176: {  	v4 =	vmin.f32 v54, $3.000000000e+01  }
0x177: {  	v4 =	vtrunc.f32 v4  }
0x178: {  	v4 =	vcvt.f32.s32 v4;
	_ =	sdelay $0x1  }
0x179: {  	v4 =	vcvt.s32.f32 v4;
	_ =	sdelay $0x1  }
0x17a: {  	v2 =	vsub.f32 v2, v4;
	_ =	sdelay $0x1  }
0x17b: {  	v2 =	vmax.f32 v2, $0.0e+00  }
0x17c: {  	v55 =	vld [tilespmem:$0x570];
	v2 =	vmin.f32 v2, $1.000000000e+00  }
0x17d: {  	v56 =	vld [tilespmem:$0x5F0];
	v57 =	vsub.f32 $1.000000000e+00, v2  }
0x17e: {  	v58 =	vld [tilespmem:$0x670]  }
0x17f: {  	v59 =	vmul.f32 v2, v2;
	v2 =	vmul.f32 v57, v2  }
0x180: {  	v60 =	vld [tilespmem:$0x6F0]  }
0x181: {  	v4 =	vmul.f32 v4, v55;
	v2 =	vadd.f32 v2, v59;
	_ =	sdelay $0x1  }
0x182: {  	v61 =	vsub.f32 v50, v58;
	v4 =	vadd.f32 v4, v56;
	v2 =	vmul.f32 v2, v55  }
0x183: {  	p0 =	sne.s32 s17, $0x3F00  }
.Ltmp0:
0x184: {  	v62 =	vadd.f32 v61, v60;
	v2 =	vadd.f32 v2, v4;
	(pc) =	sbr.rel @p0 .LBB2_3-.Ltmp0, $4  }
0x185: {  	vm14 =	vgt.f32 v50, v58;
	v3 =	vadd.f32 v56, v53  }
0x186: {  	vm15 =	vle.f32 v50, v51;
	v63 =	vsel vm14, v62, v2  }
0x187: {  	v0 =	vsel vm15, v3, v63  }
0x188: {  	s16 =	sadd.s32 $0x80, s16;
	s17 =	sadd.s32 $0x100, s17;
	[tilespmem:s18+$0x4C70] =	vst v0  }
0x189: {  	s14 =	sadd.s32 $0x1, s14  }
0x18a: {  	p0 =	sne.s32 s14, $0x20  }
.Ltmp1:
0x18b: {  	s15 =	sadd.s32 s2, s15;
	(pc) =	sbr.rel @p0 .LBB2_2-.Ltmp1, $4  }
0x18c: {  	[hbm4b:s15+s3] =	stream.linear.scatter [tilespmem:s11], [sflag:$0x2], $0x4000, $0x38;
	[tilespmem:$0x8800] =	vst v63  }
0x18d: {  	_ =	swait.ge [sflag:s12], $0x4000  }
0x18e: {  	[sflag:s12] =	ssyncset.done $0x0  }
0x18f: {  	[sflag:s12] =	ssyncadd.s32 $0xFFFFC000  }
0x190: {  	s13 =	sadd.s32 $0x1, s13  }
0x191: {  	p0 =	sne.s32 s13, s7  }
.Ltmp2:
0x192: {  	_ = 	snop;
	(pc) =	sbr.rel @p0 .LBB2_1-.Ltmp2, $1  }
0x193: {  	_ =	sdelay $0x3  }
0x194: {  	_ =	sfence.sel $0x180000  }
0x195: {  	[bflag:$0x0] =	sbarrier.arrive $0xFFFF  }
0x196: {  	p0 =	sne.s32 s4, $0x0;
	_ =	strace $0x90000047  }
0x197: {  	s0 =	sadd.s32 @!p0 $0x100000, s0;
	[bflag:$0x2] =	sbarrier.arrive $0xFFFF  }
0x198: {  	[sflag:s0] =	ssyncadd.tile.s32 @!p0 $0x1;
	_ =	shalt  }
.Lfunc_end2:
_tile_overlayer_lowered:
.L_overlay_start_2:
0x199: {  	(tag) =	ssettag $0x2  }
0x19a: {  	s0 =	rddreg [dreg:$0x0];
	s2 =	stileid.u32  }
0x19b: {  	s1 =	rddreg [dreg:$0x1];
	p0 =	sne.s32 s2, $0x0  }
0x19c: {  	s3 =	rddreg [dreg:$0x2];
	[bflag:$0x3] =	sbarrier.arrive $0xFFFF;
	s2 =	simm.s32 @!p0 $0x1C03  }
0x19d: {  	[timem:s3], [sflag:s2] =	dma.local @!p0 [hbm:s0], s1  }
0x19e: {  	s0 =	simm.s32 @!p0 $0x3  }
0x19f: {  	_ =	swait.ge @!p0 [sflag:s0], s1  }
0x1a0: {  	s1 =	ssub.s32 @!p0 $0x0, s1;
	[sflag:s0] =	ssyncset.done @!p0 $0x0  }
0x1a1: {  	[sflag:s0] =	ssyncadd.s32 @!p0 s1  }
0x1a2: {  	[bflag:$0x3] =	sbarrier.arrive $0xFFFF  }
0x1a3: {  	_ =	shalt  }

</sc_bundles>
